<compile_context>
chip_gen: v7x
topology: tpu7x:2x2x1
jax: 0.10.2.dev20260603
libtpu: 0.0.44.dev20260713+nightly
codegen_flags: <defaults>
</compile_context>

<pallas_src>
import functools

import jax
import jax.numpy as jnp
from jax import lax
from jax.experimental import pallas as pl
from jax.experimental.pallas import tpu as pltpu
from jax.experimental.pallas import tpu_sc as plsc

_NC = 2
_NS = 16
_NW = _NC * _NS
_B = 128


def _sc_mesh():
    return plsc.VectorSubcoreMesh(core_axis_name="c", subcore_axis_name="s")


def _sc_degree(dst_idx, zeros_cols, n_pad):
    nb = dst_idx.shape[1]
    chunk = n_pad // _NS

    @functools.partial(
        pl.kernel,
        out_type=jax.ShapeDtypeStruct((_NC, n_pad, 16), jnp.float32),
        mesh=_sc_mesh(),
        scratch_types=[
            pltpu.VMEM((nb, _B), jnp.int32),
            pltpu.VMEM((_B, 16), jnp.float32),
            pltpu.VMEM_SHARED((n_pad, 16), jnp.float32),
        ],
    )
    def k(dst_hbm, z_hbm, deg_out, dst_v, ones_v, deg_sh):
        c = lax.axis_index("c")
        s = lax.axis_index("s")
        wid = s * _NC + c
        pltpu.sync_copy(dst_hbm.at[wid], dst_v)

        def fill(i, carry):
            ones_v[i] = jnp.ones((16,), jnp.float32)
            return carry

        lax.fori_loop(0, _B, fill, 0)
        pltpu.sync_copy(z_hbm.at[pl.ds(s * chunk, chunk)],
                        deg_sh.at[pl.ds(s * chunk, chunk)])
        plsc.subcore_barrier()

        def body(j, carry):
            pltpu.sync_copy(ones_v, deg_sh.at[dst_v.at[j]], add=True)
            return carry

        lax.fori_loop(0, nb, body, 0)
        plsc.subcore_barrier()
        pltpu.sync_copy(deg_sh.at[pl.ds(s * chunk, chunk)],
                        deg_out.at[c, pl.ds(s * chunk, chunk)])

    return k(dst_idx, zeros_cols)


def _make_sc_aggregate(nb_a, nb_b, d, n_pad):
    chunk = n_pad // _NS

    @functools.partial(
        pl.kernel,
        out_type=jax.ShapeDtypeStruct((_NC, n_pad, d), jnp.float32),
        mesh=_sc_mesh(),
        scratch_types=[
            pltpu.VMEM((nb_a, _B), jnp.int32),
            pltpu.VMEM((nb_a, _B), jnp.int32),
            pltpu.VMEM((_B, d), jnp.float32),
            pltpu.VMEM_SHARED((n_pad, d), jnp.float32),
        ],
    )
    def k(y_hbm, src_hbm, dst_hbm, agg_out, src_v, dst_v, buf0, agg_sh):
        c = lax.axis_index("c")
        s = lax.axis_index("s")
        wid = s * _NC + c
        pltpu.sync_copy(src_hbm.at[wid], src_v)
        pltpu.sync_copy(dst_hbm.at[wid], dst_v)

        def zrow(i, carry):
            for kk in range(d // 16):
                buf0[i, pl.ds(kk * 16, 16)] = jnp.zeros((16,), jnp.float32)
            return carry

        lax.fori_loop(0, _B, zrow, 0)
        nfull, rem = chunk // _B, chunk % _B
        for t in range(nfull):
            pltpu.sync_copy(buf0, agg_sh.at[pl.ds(s * chunk + t * _B, _B)])
        if rem:
            pltpu.sync_copy(buf0.at[pl.ds(0, rem)],
                            agg_sh.at[pl.ds(s * chunk + nfull * _B, rem)])
        plsc.subcore_barrier()

        nbc = jnp.where(c == 0, nb_a, nb_b)

        def body(j, carry):
            pltpu.sync_copy(y_hbm.at[src_v.at[j]], buf0)
            pltpu.sync_copy(buf0, agg_sh.at[dst_v.at[j]], add=True)
            return carry

        lax.fori_loop(0, nbc, body, 0)
        plsc.subcore_barrier()
        pltpu.sync_copy(agg_sh.at[pl.ds(s * chunk, chunk)],
                        agg_out.at[c, pl.ds(s * chunk, chunk)])

    return k


def _tc_stage1(X, W1, degp, bn, n_pad):
    n, din = X.shape
    dh = W1.shape[1]
    grid = n_pad // bn

    def body(x_ref, w_ref, deg_ref, xw_ref, y_ref, dis_ref, dinv_ref):
        deg = deg_ref[0] + deg_ref[1] + 1.0
        dis = lax.rsqrt(deg)
        dinv = 1.0 / deg
        xw = jnp.dot(x_ref[...], w_ref[...], preferred_element_type=jnp.float32)
        xw_ref[...] = xw
        y_ref[...] = xw * dis
        dis_ref[...] = dis
        dinv_ref[...] = dinv

    return pl.pallas_call(
        body,
        grid=(grid,),
        in_specs=[
            pl.BlockSpec((bn, din), lambda i: (i, 0)),
            pl.BlockSpec((din, dh), lambda i: (0, 0)),
            pl.BlockSpec((_NC, bn, 1), lambda i: (0, i, 0)),
        ],
        out_specs=[
            pl.BlockSpec((bn, dh), lambda i: (i, 0)),
            pl.BlockSpec((bn, dh), lambda i: (i, 0)),
            pl.BlockSpec((bn, 1), lambda i: (i, 0)),
            pl.BlockSpec((bn, 1), lambda i: (i, 0)),
        ],
        out_shape=[
            jax.ShapeDtypeStruct((n, dh), jnp.float32),
            jax.ShapeDtypeStruct((n_pad, dh), jnp.float32),
            jax.ShapeDtypeStruct((n, 1), jnp.float32),
            jax.ShapeDtypeStruct((n, 1), jnp.float32),
        ],
    )(X, W1, degp)


def _tc_stage2(agg, xw1, dis, dinv, b1, W2, bn, n_pad):
    n, dh = xw1.shape
    do = W2.shape[1]
    grid = n_pad // bn

    def body(a_ref, xw_ref, dis_ref, dinv_ref, b_ref, w_ref, xw2_ref, y2_ref):
        h = (dis_ref[...] * (a_ref[0] + a_ref[1])
             + xw_ref[...] * dinv_ref[...] + b_ref[...])
        h = jnp.maximum(h, 0.0)
        xw2 = jnp.dot(h, w_ref[...], preferred_element_type=jnp.float32)
        xw2_ref[...] = xw2
        y2_ref[...] = xw2 * dis_ref[...]

    return pl.pallas_call(
        body,
        grid=(grid,),
        in_specs=[
            pl.BlockSpec((_NC, bn, dh), lambda i: (0, i, 0)),
            pl.BlockSpec((bn, dh), lambda i: (i, 0)),
            pl.BlockSpec((bn, 1), lambda i: (i, 0)),
            pl.BlockSpec((bn, 1), lambda i: (i, 0)),
            pl.BlockSpec((1, dh), lambda i: (0, 0)),
            pl.BlockSpec((dh, do), lambda i: (0, 0)),
        ],
        out_specs=[
            pl.BlockSpec((bn, do), lambda i: (i, 0)),
            pl.BlockSpec((bn, do), lambda i: (i, 0)),
        ],
        out_shape=[
            jax.ShapeDtypeStruct((n, do), jnp.float32),
            jax.ShapeDtypeStruct((n_pad, do), jnp.float32),
        ],
    )(agg, xw1, dis, dinv, b1, W2)


def _tc_stage3(agg, xw2, dis, dinv, b2, bn, n_pad):
    n, do = xw2.shape
    grid = n_pad // bn

    def body(a_ref, xw_ref, dis_ref, dinv_ref, b_ref, o_ref):
        o_ref[...] = (dis_ref[...] * (a_ref[0] + a_ref[1])
                      + xw_ref[...] * dinv_ref[...] + b_ref[...])

    return pl.pallas_call(
        body,
        grid=(grid,),
        in_specs=[
            pl.BlockSpec((_NC, bn, do), lambda i: (0, i, 0)),
            pl.BlockSpec((bn, do), lambda i: (i, 0)),
            pl.BlockSpec((bn, 1), lambda i: (i, 0)),
            pl.BlockSpec((bn, 1), lambda i: (i, 0)),
            pl.BlockSpec((1, do), lambda i: (0, 0)),
        ],
        out_specs=pl.BlockSpec((bn, do), lambda i: (i, 0)),
        out_shape=jax.ShapeDtypeStruct((n, do), jnp.float32),
    )(agg, xw2, dis, dinv, b2)


def kernel(X, edge_index, W1, b1, W2, b2):
    n, din = X.shape
    e = edge_index.shape[1]
    dh = W1.shape[1]
    do = W2.shape[1]

    nbw = -(-e // (_NW * _B))
    nbw += nbw % 2
    e_padw = _NW * nbw * _B
    per_tile = -(-e // (_NS * _B))
    nb_a = -(-3 * per_tile // 4)
    nb_a += nb_a % 2
    nb_b = max(per_tile - nb_a, 2)
    nb_b += nb_b % 2
    e_a = _NS * nb_a * _B
    e_ab = e_a + _NS * nb_b * _B
    n_pad = -(-(n + 1) // 128) * 128

    src = edge_index[0].astype(jnp.int32)
    dst = edge_index[1].astype(jnp.int32)
    dst_w = jnp.concatenate([dst, jnp.full((e_padw - e,), n, jnp.int32)])
    dst_w = dst_w.reshape(_NW, nbw, _B)
    src_p = jnp.concatenate([src, jnp.zeros((e_ab - e,), jnp.int32)])
    dst_p = jnp.concatenate([dst, jnp.full((e_ab - e,), n, jnp.int32)])

    def widmajor(x, fill):
        xa = x[:e_a].reshape(_NS, 1, nb_a, _B)
        xb = x[e_a:].reshape(_NS, nb_b, _B)
        xb = jnp.concatenate(
            [xb, jnp.full((_NS, nb_a - nb_b, _B), fill, jnp.int32)], axis=1)
        return jnp.concatenate([xa, xb[:, None]], axis=1).reshape(
            _NW, nb_a, _B)

    src_a = widmajor(src_p, 0)
    dst_a = widmajor(dst_p, n)

    zeros_cols = jnp.zeros((n_pad, 16), jnp.float32)

    bn = n_pad // _NS

    degp = _sc_degree(dst_w, zeros_cols, n_pad)
    degs = degp[:, :n, 0:1]

    agg_k = _make_sc_aggregate(nb_a, nb_b, dh, n_pad)

    xw1, y1, dis, dinv = _tc_stage1(X, W1, degs, bn, n_pad)
    agg1 = agg_k(y1, src_a, dst_a)
    xw2, y2 = _tc_stage2(agg1, xw1, dis, dinv, b1.reshape(1, dh), W2, bn, n_pad)
    agg2 = agg_k(y2, src_a, dst_a)
    return _tc_stage3(agg2, xw2, dis, dinv, b2.reshape(1, do), bn, n_pad)

# --- scband reference (transcript-rebuilt; emitter-appended) ---
"""Pipeline reference for scband-gcnencoder-34333968564540 (READ-ONLY COPY).

The authoritative reference and input builder live on the scoring server;
editing this copy changes nothing except your own understanding.
"""

import jax, jax.numpy as jnp
import numpy as np

N_NODES = 10000
N_EDGES = 320000
D_IN = 128
D_HID = 128
D_OUT = 128


def setup_inputs(seed: int = 0) -> dict:
    key = jax.random.key(seed)
    k1, k2, k3, k4, k5, k6 = jax.random.split(key, 6)
    X = jax.random.normal(k1, (N_NODES, D_IN), dtype=jnp.float32)
    edge_index = jax.random.randint(k2, (2, N_EDGES), 0, N_NODES, dtype=jnp.int64)
    # Glorot-style init for GCN weights, zeros for bias (PyG default)
    s1 = (6.0 / (D_IN + D_HID)) ** 0.5
    W1 = jax.random.uniform(k3, (D_IN, D_HID), dtype=jnp.float32, minval=-s1, maxval=s1)
    b1 = jnp.zeros((D_HID,), dtype=jnp.float32)
    s2 = (6.0 / (D_HID + D_OUT)) ** 0.5
    W2 = jax.random.uniform(k4, (D_HID, D_OUT), dtype=jnp.float32, minval=-s2, maxval=s2)
    b2 = jnp.zeros((D_OUT,), dtype=jnp.float32)
    return {"X": X, "edge_index": edge_index, "W1": W1, "b1": b1, "W2": W2, "b2": b2}


def _gcn_conv(x, src, dst, W, b, num_nodes):
    # x' = D^{-1/2} (A + I) D^{-1/2} X W + b   (PyG GCNConv with add_self_loops=True)
    loop = jnp.arange(num_nodes, dtype=src.dtype)
    s = jnp.concatenate([src, loop])
    d = jnp.concatenate([dst, loop])
    deg = jnp.zeros((num_nodes,), dtype=x.dtype).at[d].add(1.0)
    deg_inv_sqrt = jnp.where(deg > 0, jax.lax.rsqrt(jnp.maximum(deg, 1e-12)), 0.0)
    norm = deg_inv_sqrt[s] * deg_inv_sqrt[d]
    xw = x @ W
    msgs = xw[s] * norm[:, None]
    out = jnp.zeros((num_nodes, W.shape[1]), dtype=x.dtype).at[d].add(msgs)
    return out + b


def reference(X, edge_index, W1, b1, W2, b2):
    src, dst = edge_index[0], edge_index[1]
    n = X.shape[0]
    h = _gcn_conv(X, src, dst, W1, b1, n)
    h = jax.nn.relu(h)
    # dropout is identity in eval mode
    h = _gcn_conv(h, src, dst, W2, b2, n)
    return h

if __name__ == "__main__":
    import jax
    _d = setup_inputs()
    print(jax.jit(kernel)(*tuple(_d.values())))

</pallas_src>

<mosaic_0001>
#map = affine_map<(d0, d1) -> (0, 0, 0)>
#map1 = affine_map<(d0, d1) -> (0, 0)>
module attributes {stable_mosaic.version = 14 : i64} {
  func.func @k(%arg0: i32, %arg1: i32, %arg2: memref<32x80x128xi32, #tpu.memory_space<hbm>>, %arg3: memref<10112x16xf32, #tpu.memory_space<hbm>>, %arg4: memref<2x10112x16xf32, #tpu.memory_space<hbm>>, %arg5: memref<80x128xi32, #tpu.memory_space<vmem>>, %arg6: memref<128x16xf32, #tpu.memory_space<vmem>>, %arg7: memref<10112x16xf32, #tpu.memory_space<vmem_shared>>) attributes {dimension_semantics = [#tpu.dimension_semantics<core_parallel>, #tpu.dimension_semantics<subcore_parallel>], iteration_bounds = array<i64: 2, 16>, scalar_prefetch = 0 : i64, scratch_operands = 3 : i64, tpu.core_type = #tpu.core_type<sc_vector_subcore>, window_params = [{transform_indices = #map}, {transform_indices = #map1}, {transform_indices = #map}]} {
    %mul3A = arith.constant 2 : i32
    %mul3A_0 = arith.muli %arg1, %mul3A : i32
    %add3A = arith.addi %mul3A_0, %arg0 : i32
    "tpu.region"() ({
      %run_scoped3A = tpu.sem_alloc : memref<!tpu.dma_semaphore, #tpu.memory_space<semaphore_mem>>
      %dma_start3A = arith.constant 0 : i32
      %dma_start3A_21 = arith.constant 0 : i32
      %dma_start3A_22 = tpu.memref_slice %arg2[%add3A, %dma_start3A, %dma_start3A_21] : memref<32x80x128xi32, #tpu.memory_space<hbm>> -> memref<1x80x128xi32, #tpu.memory_space<hbm>>
      %dma_start3A_23 = tpu.memref_squeeze %dma_start3A_22 : memref<1x80x128xi32, #tpu.memory_space<hbm>> -> memref<80x128xi32, #tpu.memory_space<hbm>>
      %dma_start3A_24 = arith.constant 0 : i32
      %dma_start3A_25 = arith.constant 0 : i32
      %dma_start3A_26 = tpu.memref_slice %arg2[%add3A, %dma_start3A_24, %dma_start3A_25] : memref<32x80x128xi32, #tpu.memory_space<hbm>> -> memref<1x80x128xi32, #tpu.memory_space<hbm>>
      %dma_start3A_27 = tpu.memref_squeeze %dma_start3A_26 : memref<1x80x128xi32, #tpu.memory_space<hbm>> -> memref<80x128xi32, #tpu.memory_space<hbm>>
      tpu.enqueue_dma source(%dma_start3A_27 : memref<80x128xi32, #tpu.memory_space<hbm>>) target(%arg5 : memref<80x128xi32, #tpu.memory_space<vmem>>) target_semaphore(%run_scoped3A : memref<!tpu.dma_semaphore, #tpu.memory_space<semaphore_mem>>)
      %dma_wait3A = arith.constant 0 : i32
      %dma_wait3A_28 = arith.constant 0 : i32
      %dma_wait3A_29 = tpu.memref_slice %arg2[%add3A, %dma_wait3A, %dma_wait3A_28] : memref<32x80x128xi32, #tpu.memory_space<hbm>> -> memref<1x80x128xi32, #tpu.memory_space<hbm>>
      %dma_wait3A_30 = tpu.memref_squeeze %dma_wait3A_29 : memref<1x80x128xi32, #tpu.memory_space<hbm>> -> memref<80x128xi32, #tpu.memory_space<hbm>>
      %dma_wait3A_31 = arith.constant 0 : i32
      %dma_wait3A_32 = arith.constant 0 : i32
      %dma_wait3A_33 = tpu.memref_slice %arg2[%add3A, %dma_wait3A_31, %dma_wait3A_32] : memref<32x80x128xi32, #tpu.memory_space<hbm>> -> memref<1x80x128xi32, #tpu.memory_space<hbm>>
      %dma_wait3A_34 = tpu.memref_squeeze %dma_wait3A_33 : memref<1x80x128xi32, #tpu.memory_space<hbm>> -> memref<80x128xi32, #tpu.memory_space<hbm>>
      tpu.wait_dma2 semaphore(%run_scoped3A : memref<!tpu.dma_semaphore, #tpu.memory_space<semaphore_mem>>) src(%dma_wait3A_34 : memref<80x128xi32, #tpu.memory_space<hbm>>) dst(%arg5 : memref<80x128xi32, #tpu.memory_space<vmem>>)
      tpu.yield
    }) : () -> ()
    %scan3A = arith.constant 0 : i32
    %scan3A_1 = arith.constant 0 : i32
    %scan3A_2 = arith.constant 128 : i32
    %scan3A_3 = arith.addi %scan3A_1, %scan3A_2 : i32
    %scan3A_4 = arith.constant 1 : i32
    scf.for %scan3A_21 = %scan3A_1 to %scan3A_3 step %scan3A_4  : i32 {
      %broadcast_in_dim3A = arith.constant 1.000000e+00 : f32
      %broadcast_in_dim3A_22 = vector.broadcast %broadcast_in_dim3A : f32 to vector<16xf32>
      %swap3A = arith.index_cast %scan3A_21 : i32 to index
      %swap3A_23 = arith.constant 0 : index
      %swap3A_24 = tpu.vector_load %arg6[%swap3A, %swap3A_23] {strides = array<i32>} : memref<128x16xf32, #tpu.memory_space<vmem>>, vector<1x16xf32>,
      %swap3A_25 = vector.shape_cast %swap3A_24 : vector<1x16xf32> to vector<16xf32>
      %swap3A_26 = vector.shape_cast %broadcast_in_dim3A_22 : vector<16xf32> to vector<1x16xf32>
      tpu.vector_store %arg6[%swap3A, %swap3A_23], %swap3A_26 {strides = array<i32>} : memref<128x16xf32, #tpu.memory_space<vmem>>, vector<1x16xf32>,
    }
    %scan3A_5 = arith.constant 128 : i32
    %mul3A_6 = arith.constant 632 : i32
    %mul3A_7 = arith.muli %arg1, %mul3A_6 : i32
    %mul3A_8 = arith.constant 632 : i32
    %mul3A_9 = arith.muli %arg1, %mul3A_8 : i32
    "tpu.region"() ({
      %run_scoped3A = tpu.sem_alloc : memref<!tpu.dma_semaphore, #tpu.memory_space<semaphore_mem>>
      %dma_start3A = arith.constant 0 : i32
      %dma_start3A_21 = tpu.memref_slice %arg7[%mul3A_9, %dma_start3A] : memref<10112x16xf32, #tpu.memory_space<vmem_shared>> -> memref<632x16xf32, #tpu.memory_space<vmem_shared>>
      %dma_start3A_22 = arith.constant 0 : i32
      %dma_start3A_23 = tpu.memref_slice %arg3[%mul3A_7, %dma_start3A_22] : memref<10112x16xf32, #tpu.memory_space<hbm>> -> memref<632x16xf32, #tpu.memory_space<hbm>>
      tpu.enqueue_dma source(%dma_start3A_23 : memref<632x16xf32, #tpu.memory_space<hbm>>) target(%dma_start3A_21 : memref<632x16xf32, #tpu.memory_space<vmem_shared>>) target_semaphore(%run_scoped3A : memref<!tpu.dma_semaphore, #tpu.memory_space<semaphore_mem>>)
      %dma_wait3A = arith.constant 0 : i32
      %dma_wait3A_24 = tpu.memref_slice %arg7[%mul3A_9, %dma_wait3A] : memref<10112x16xf32, #tpu.memory_space<vmem_shared>> -> memref<632x16xf32, #tpu.memory_space<vmem_shared>>
      %dma_wait3A_25 = arith.constant 0 : i32
      %dma_wait3A_26 = tpu.memref_slice %arg3[%mul3A_7, %dma_wait3A_25] : memref<10112x16xf32, #tpu.memory_space<hbm>> -> memref<632x16xf32, #tpu.memory_space<hbm>>
      tpu.wait_dma2 semaphore(%run_scoped3A : memref<!tpu.dma_semaphore, #tpu.memory_space<semaphore_mem>>) src(%dma_wait3A_26 : memref<632x16xf32, #tpu.memory_space<hbm>>) dst(%dma_wait3A_24 : memref<632x16xf32, #tpu.memory_space<vmem_shared>>)
      tpu.yield
    }) : () -> ()
    %barrier3A = arith.constant 0 : index
    tpu.barrier barrier_id(%barrier3A)
    %scan3A_10 = arith.constant 0 : i32
    %scan3A_11 = arith.constant 0 : i32
    %scan3A_12 = arith.constant 80 : i32
    %scan3A_13 = arith.addi %scan3A_11, %scan3A_12 : i32
    %scan3A_14 = arith.constant 1 : i32
    scf.for %scan3A_21 = %scan3A_11 to %scan3A_13 step %scan3A_14  : i32 {
      "tpu.region"() ({
        %run_scoped3A = tpu.sem_alloc : memref<!tpu.dma_semaphore, #tpu.memory_space<semaphore_mem>>
        %dma_start3A = arith.constant 0 : i32
        %dma_start3A_22 = tpu.memref_slice %arg5[%scan3A_21, %dma_start3A] : memref<80x128xi32, #tpu.memory_space<vmem>> -> memref<1x128xi32, #tpu.memory_space<vmem>>
        %dma_start3A_23 = tpu.memref_squeeze %dma_start3A_22 : memref<1x128xi32, #tpu.memory_space<vmem>> -> memref<128xi32, #tpu.memory_space<vmem>>
        %dma_start3A_24 = arith.constant 0 : i32
        %dma_start3A_25 = arith.constant 0 : i32
        %dma_start3A_26 = tpu.memref_slice %arg7[%dma_start3A_24, %dma_start3A_25] : memref<10112x16xf32, #tpu.memory_space<vmem_shared>> -> memref<10112x16xf32, #tpu.memory_space<vmem_shared>>
        tpu.enqueue_indirect_dma source(%arg6 : memref<128x16xf32, #tpu.memory_space<vmem>>) target(%dma_start3A_26 : memref<10112x16xf32, #tpu.memory_space<vmem_shared>>) offsets(%dma_start3A_23 : memref<128xi32, #tpu.memory_space<vmem>>) semaphore(%run_scoped3A : memref<!tpu.dma_semaphore, #tpu.memory_space<semaphore_mem>>) {add = true}
        %dma_wait3A = arith.constant 0 : i32
        %dma_wait3A_27 = tpu.memref_slice %arg5[%scan3A_21, %dma_wait3A] : memref<80x128xi32, #tpu.memory_space<vmem>> -> memref<1x128xi32, #tpu.memory_space<vmem>>
        %dma_wait3A_28 = tpu.memref_squeeze %dma_wait3A_27 : memref<1x128xi32, #tpu.memory_space<vmem>> -> memref<128xi32, #tpu.memory_space<vmem>>
        %dma_wait3A_29 = arith.constant 0 : i32
        %dma_wait3A_30 = arith.constant 0 : i32
        %dma_wait3A_31 = tpu.memref_slice %arg7[%dma_wait3A_29, %dma_wait3A_30] : memref<10112x16xf32, #tpu.memory_space<vmem_shared>> -> memref<10112x16xf32, #tpu.memory_space<vmem_shared>>
        tpu.wait_indirect_dma semaphore(%run_scoped3A : memref<!tpu.dma_semaphore, #tpu.memory_space<semaphore_mem>>) src(%arg6 : memref<128x16xf32, #tpu.memory_space<vmem>>) dst(%dma_wait3A_31 : memref<10112x16xf32, #tpu.memory_space<vmem_shared>>)
        tpu.yield
      }) : () -> ()
    }
    %scan3A_15 = arith.constant 80 : i32
    %barrier3A_16 = arith.constant 0 : index
    tpu.barrier barrier_id(%barrier3A_16)
    %mul3A_17 = arith.constant 632 : i32
    %mul3A_18 = arith.muli %arg1, %mul3A_17 : i32
    %mul3A_19 = arith.constant 632 : i32
    %mul3A_20 = arith.muli %arg1, %mul3A_19 : i32
    "tpu.region"() ({
      %run_scoped3A = tpu.sem_alloc : memref<!tpu.dma_semaphore, #tpu.memory_space<semaphore_mem>>
      %dma_start3A = arith.constant 0 : i32
      %dma_start3A_21 = tpu.memref_slice %arg4[%arg0, %mul3A_20, %dma_start3A] : memref<2x10112x16xf32, #tpu.memory_space<hbm>> -> memref<1x632x16xf32, #tpu.memory_space<hbm>>
      %dma_start3A_22 = tpu.memref_squeeze %dma_start3A_21 : memref<1x632x16xf32, #tpu.memory_space<hbm>> -> memref<632x16xf32, #tpu.memory_space<hbm>>
      %dma_start3A_23 = arith.constant 0 : i32
      %dma_start3A_24 = tpu.memref_slice %arg7[%mul3A_18, %dma_start3A_23] : memref<10112x16xf32, #tpu.memory_space<vmem_shared>> -> memref<632x16xf32, #tpu.memory_space<vmem_shared>>
      tpu.enqueue_dma source(%dma_start3A_24 : memref<632x16xf32, #tpu.memory_space<vmem_shared>>) target(%dma_start3A_22 : memref<632x16xf32, #tpu.memory_space<hbm>>) target_semaphore(%run_scoped3A : memref<!tpu.dma_semaphore, #tpu.memory_space<semaphore_mem>>)
      %dma_wait3A = arith.constant 0 : i32
      %dma_wait3A_25 = tpu.memref_slice %arg4[%arg0, %mul3A_20, %dma_wait3A] : memref<2x10112x16xf32, #tpu.memory_space<hbm>> -> memref<1x632x16xf32, #tpu.memory_space<hbm>>
      %dma_wait3A_26 = tpu.memref_squeeze %dma_wait3A_25 : memref<1x632x16xf32, #tpu.memory_space<hbm>> -> memref<632x16xf32, #tpu.memory_space<hbm>>
      %dma_wait3A_27 = arith.constant 0 : i32
      %dma_wait3A_28 = tpu.memref_slice %arg7[%mul3A_18, %dma_wait3A_27] : memref<10112x16xf32, #tpu.memory_space<vmem_shared>> -> memref<632x16xf32, #tpu.memory_space<vmem_shared>>
      tpu.wait_dma2 semaphore(%run_scoped3A : memref<!tpu.dma_semaphore, #tpu.memory_space<semaphore_mem>>) src(%dma_wait3A_28 : memref<632x16xf32, #tpu.memory_space<vmem_shared>>) dst(%dma_wait3A_26 : memref<632x16xf32, #tpu.memory_space<hbm>>)
      tpu.yield
    }) : () -> ()
    return
  }
}

#map = affine_map<(d0, d1) -> (0, 0)>
#map1 = affine_map<(d0, d1) -> (0, 0, 0)>
module attributes {stable_mosaic.version = 14 : i64} {
  func.func @k(%arg0: i32, %arg1: i32, %arg2: memref<10112x128xf32, #tpu.memory_space<hbm>>, %arg3: memref<32x118x128xi32, #tpu.memory_space<hbm>>, %arg4: memref<32x118x128xi32, #tpu.memory_space<hbm>>, %arg5: memref<2x10112x128xf32, #tpu.memory_space<hbm>>, %arg6: memref<118x128xi32, #tpu.memory_space<vmem>>, %arg7: memref<118x128xi32, #tpu.memory_space<vmem>>, %arg8: memref<128x128xf32, #tpu.memory_space<vmem>>, %arg9: memref<10112x128xf32, #tpu.memory_space<vmem_shared>>) attributes {dimension_semantics = [#tpu.dimension_semantics<core_parallel>, #tpu.dimension_semantics<subcore_parallel>], iteration_bounds = array<i64: 2, 16>, scalar_prefetch = 0 : i64, scratch_operands = 4 : i64, tpu.core_type = #tpu.core_type<sc_vector_subcore>, window_params = [{transform_indices = #map}, {transform_indices = #map1}, {transform_indices = #map1}, {transform_indices = #map1}]} {
    %mul3A = arith.constant 2 : i32
    %mul3A_0 = arith.muli %arg1, %mul3A : i32
    %add3A = arith.addi %mul3A_0, %arg0 : i32
    "tpu.region"() ({
      %run_scoped3A = tpu.sem_alloc : memref<!tpu.dma_semaphore, #tpu.memory_space<semaphore_mem>>
      %dma_start3A = arith.constant 0 : i32
      %dma_start3A_42 = arith.constant 0 : i32
      %dma_start3A_43 = tpu.memref_slice %arg3[%add3A, %dma_start3A, %dma_start3A_42] : memref<32x118x128xi32, #tpu.memory_space<hbm>> -> memref<1x118x128xi32, #tpu.memory_space<hbm>>
      %dma_start3A_44 = tpu.memref_squeeze %dma_start3A_43 : memref<1x118x128xi32, #tpu.memory_space<hbm>> -> memref<118x128xi32, #tpu.memory_space<hbm>>
      %dma_start3A_45 = arith.constant 0 : i32
      %dma_start3A_46 = arith.constant 0 : i32
      %dma_start3A_47 = tpu.memref_slice %arg3[%add3A, %dma_start3A_45, %dma_start3A_46] : memref<32x118x128xi32, #tpu.memory_space<hbm>> -> memref<1x118x128xi32, #tpu.memory_space<hbm>>
      %dma_start3A_48 = tpu.memref_squeeze %dma_start3A_47 : memref<1x118x128xi32, #tpu.memory_space<hbm>> -> memref<118x128xi32, #tpu.memory_space<hbm>>
      tpu.enqueue_dma source(%dma_start3A_48 : memref<118x128xi32, #tpu.memory_space<hbm>>) target(%arg6 : memref<118x128xi32, #tpu.memory_space<vmem>>) target_semaphore(%run_scoped3A : memref<!tpu.dma_semaphore, #tpu.memory_space<semaphore_mem>>)
      %dma_wait3A = arith.constant 0 : i32
      %dma_wait3A_49 = arith.constant 0 : i32
      %dma_wait3A_50 = tpu.memref_slice %arg3[%add3A, %dma_wait3A, %dma_wait3A_49] : memref<32x118x128xi32, #tpu.memory_space<hbm>> -> memref<1x118x128xi32, #tpu.memory_space<hbm>>
      %dma_wait3A_51 = tpu.memref_squeeze %dma_wait3A_50 : memref<1x118x128xi32, #tpu.memory_space<hbm>> -> memref<118x128xi32, #tpu.memory_space<hbm>>
      %dma_wait3A_52 = arith.constant 0 : i32
      %dma_wait3A_53 = arith.constant 0 : i32
      %dma_wait3A_54 = tpu.memref_slice %arg3[%add3A, %dma_wait3A_52, %dma_wait3A_53] : memref<32x118x128xi32, #tpu.memory_space<hbm>> -> memref<1x118x128xi32, #tpu.memory_space<hbm>>
      %dma_wait3A_55 = tpu.memref_squeeze %dma_wait3A_54 : memref<1x118x128xi32, #tpu.memory_space<hbm>> -> memref<118x128xi32, #tpu.memory_space<hbm>>
      tpu.wait_dma2 semaphore(%run_scoped3A : memref<!tpu.dma_semaphore, #tpu.memory_space<semaphore_mem>>) src(%dma_wait3A_55 : memref<118x128xi32, #tpu.memory_space<hbm>>) dst(%arg6 : memref<118x128xi32, #tpu.memory_space<vmem>>)
      tpu.yield
    }) : () -> ()
    "tpu.region"() ({
      %run_scoped3A = tpu.sem_alloc : memref<!tpu.dma_semaphore, #tpu.memory_space<semaphore_mem>>
      %dma_start3A = arith.constant 0 : i32
      %dma_start3A_42 = arith.constant 0 : i32
      %dma_start3A_43 = tpu.memref_slice %arg4[%add3A, %dma_start3A, %dma_start3A_42] : memref<32x118x128xi32, #tpu.memory_space<hbm>> -> memref<1x118x128xi32, #tpu.memory_space<hbm>>
      %dma_start3A_44 = tpu.memref_squeeze %dma_start3A_43 : memref<1x118x128xi32, #tpu.memory_space<hbm>> -> memref<118x128xi32, #tpu.memory_space<hbm>>
      %dma_start3A_45 = arith.constant 0 : i32
      %dma_start3A_46 = arith.constant 0 : i32
      %dma_start3A_47 = tpu.memref_slice %arg4[%add3A, %dma_start3A_45, %dma_start3A_46] : memref<32x118x128xi32, #tpu.memory_space<hbm>> -> memref<1x118x128xi32, #tpu.memory_space<hbm>>
      %dma_start3A_48 = tpu.memref_squeeze %dma_start3A_47 : memref<1x118x128xi32, #tpu.memory_space<hbm>> -> memref<118x128xi32, #tpu.memory_space<hbm>>
      tpu.enqueue_dma source(%dma_start3A_48 : memref<118x128xi32, #tpu.memory_space<hbm>>) target(%arg7 : memref<118x128xi32, #tpu.memory_space<vmem>>) target_semaphore(%run_scoped3A : memref<!tpu.dma_semaphore, #tpu.memory_space<semaphore_mem>>)
      %dma_wait3A = arith.constant 0 : i32
      %dma_wait3A_49 = arith.constant 0 : i32
      %dma_wait3A_50 = tpu.memref_slice %arg4[%add3A, %dma_wait3A, %dma_wait3A_49] : memref<32x118x128xi32, #tpu.memory_space<hbm>> -> memref<1x118x128xi32, #tpu.memory_space<hbm>>
      %dma_wait3A_51 = tpu.memref_squeeze %dma_wait3A_50 : memref<1x118x128xi32, #tpu.memory_space<hbm>> -> memref<118x128xi32, #tpu.memory_space<hbm>>
      %dma_wait3A_52 = arith.constant 0 : i32
      %dma_wait3A_53 = arith.constant 0 : i32
      %dma_wait3A_54 = tpu.memref_slice %arg4[%add3A, %dma_wait3A_52, %dma_wait3A_53] : memref<32x118x128xi32, #tpu.memory_space<hbm>> -> memref<1x118x128xi32, #tpu.memory_space<hbm>>
      %dma_wait3A_55 = tpu.memref_squeeze %dma_wait3A_54 : memref<1x118x128xi32, #tpu.memory_space<hbm>> -> memref<118x128xi32, #tpu.memory_space<hbm>>
      tpu.wait_dma2 semaphore(%run_scoped3A : memref<!tpu.dma_semaphore, #tpu.memory_space<semaphore_mem>>) src(%dma_wait3A_55 : memref<118x128xi32, #tpu.memory_space<hbm>>) dst(%arg7 : memref<118x128xi32, #tpu.memory_space<vmem>>)
      tpu.yield
    }) : () -> ()
    %scan3A = arith.constant 0 : i32
    %scan3A_1 = arith.constant 0 : i32
    %scan3A_2 = arith.constant 128 : i32
    %scan3A_3 = arith.addi %scan3A_1, %scan3A_2 : i32
    %scan3A_4 = arith.constant 1 : i32
    scf.for %scan3A_42 = %scan3A_1 to %scan3A_3 step %scan3A_4  : i32 {
      %broadcast_in_dim3A = arith.constant 0.000000e+00 : f32
      %broadcast_in_dim3A_43 = vector.broadcast %broadcast_in_dim3A : f32 to vector<16xf32>
      %swap3A = arith.index_cast %scan3A_42 : i32 to index
      %swap3A_44 = arith.constant 0 : index
      %swap3A_45 = tpu.vector_load %arg8[%swap3A, %swap3A_44] {strides = array<i32>} : memref<128x128xf32, #tpu.memory_space<vmem>>, vector<1x16xf32>,
      %swap3A_46 = vector.shape_cast %swap3A_45 : vector<1x16xf32> to vector<16xf32>
      %swap3A_47 = vector.shape_cast %broadcast_in_dim3A_43 : vector<16xf32> to vector<1x16xf32>
      tpu.vector_store %arg8[%swap3A, %swap3A_44], %swap3A_47 {strides = array<i32>} : memref<128x128xf32, #tpu.memory_space<vmem>>, vector<1x16xf32>,
      %broadcast_in_dim3A_48 = arith.constant 0.000000e+00 : f32
      %broadcast_in_dim3A_49 = vector.broadcast %broadcast_in_dim3A_48 : f32 to vector<16xf32>
      %swap3A_50 = arith.index_cast %scan3A_42 : i32 to index
      %swap3A_51 = arith.constant 16 : index
      %swap3A_52 = tpu.vector_load %arg8[%swap3A_50, %swap3A_51] {strides = array<i32>} : memref<128x128xf32, #tpu.memory_space<vmem>>, vector<1x16xf32>,
      %swap3A_53 = vector.shape_cast %swap3A_52 : vector<1x16xf32> to vector<16xf32>
      %swap3A_54 = vector.shape_cast %broadcast_in_dim3A_49 : vector<16xf32> to vector<1x16xf32>
      tpu.vector_store %arg8[%swap3A_50, %swap3A_51], %swap3A_54 {strides = array<i32>} : memref<128x128xf32, #tpu.memory_space<vmem>>, vector<1x16xf32>,
      %broadcast_in_dim3A_55 = arith.constant 0.000000e+00 : f32
      %broadcast_in_dim3A_56 = vector.broadcast %broadcast_in_dim3A_55 : f32 to vector<16xf32>
      %swap3A_57 = arith.index_cast %scan3A_42 : i32 to index
      %swap3A_58 = arith.constant 32 : index
      %swap3A_59 = tpu.vector_load %arg8[%swap3A_57, %swap3A_58] {strides = array<i32>} : memref<128x128xf32, #tpu.memory_space<vmem>>, vector<1x16xf32>,
      %swap3A_60 = vector.shape_cast %swap3A_59 : vector<1x16xf32> to vector<16xf32>
      %swap3A_61 = vector.shape_cast %broadcast_in_dim3A_56 : vector<16xf32> to vector<1x16xf32>
      tpu.vector_store %arg8[%swap3A_57, %swap3A_58], %swap3A_61 {strides = array<i32>} : memref<128x128xf32, #tpu.memory_space<vmem>>, vector<1x16xf32>,
      %broadcast_in_dim3A_62 = arith.constant 0.000000e+00 : f32
      %broadcast_in_dim3A_63 = vector.broadcast %broadcast_in_dim3A_62 : f32 to vector<16xf32>
      %swap3A_64 = arith.index_cast %scan3A_42 : i32 to index
      %swap3A_65 = arith.constant 48 : index
      %swap3A_66 = tpu.vector_load %arg8[%swap3A_64, %swap3A_65] {strides = array<i32>} : memref<128x128xf32, #tpu.memory_space<vmem>>, vector<1x16xf32>,
      %swap3A_67 = vector.shape_cast %swap3A_66 : vector<1x16xf32> to vector<16xf32>
      %swap3A_68 = vector.shape_cast %broadcast_in_dim3A_63 : vector<16xf32> to vector<1x16xf32>
      tpu.vector_store %arg8[%swap3A_64, %swap3A_65], %swap3A_68 {strides = array<i32>} : memref<128x128xf32, #tpu.memory_space<vmem>>, vector<1x16xf32>,
      %broadcast_in_dim3A_69 = arith.constant 0.000000e+00 : f32
      %broadcast_in_dim3A_70 = vector.broadcast %broadcast_in_dim3A_69 : f32 to vector<16xf32>
      %swap3A_71 = arith.index_cast %scan3A_42 : i32 to index
      %swap3A_72 = arith.constant 64 : index
      %swap3A_73 = tpu.vector_load %arg8[%swap3A_71, %swap3A_72] {strides = array<i32>} : memref<128x128xf32, #tpu.memory_space<vmem>>, vector<1x16xf32>,
      %swap3A_74 = vector.shape_cast %swap3A_73 : vector<1x16xf32> to vector<16xf32>
      %swap3A_75 = vector.shape_cast %broadcast_in_dim3A_70 : vector<16xf32> to vector<1x16xf32>
      tpu.vector_store %arg8[%swap3A_71, %swap3A_72], %swap3A_75 {strides = array<i32>} : memref<128x128xf32, #tpu.memory_space<vmem>>, vector<1x16xf32>,
      %broadcast_in_dim3A_76 = arith.constant 0.000000e+00 : f32
      %broadcast_in_dim3A_77 = vector.broadcast %broadcast_in_dim3A_76 : f32 to vector<16xf32>
      %swap3A_78 = arith.index_cast %scan3A_42 : i32 to index
      %swap3A_79 = arith.constant 80 : index
      %swap3A_80 = tpu.vector_load %arg8[%swap3A_78, %swap3A_79] {strides = array<i32>} : memref<128x128xf32, #tpu.memory_space<vmem>>, vector<1x16xf32>,
      %swap3A_81 = vector.shape_cast %swap3A_80 : vector<1x16xf32> to vector<16xf32>
      %swap3A_82 = vector.shape_cast %broadcast_in_dim3A_77 : vector<16xf32> to vector<1x16xf32>
      tpu.vector_store %arg8[%swap3A_78, %swap3A_79], %swap3A_82 {strides = array<i32>} : memref<128x128xf32, #tpu.memory_space<vmem>>, vector<1x16xf32>,
      %broadcast_in_dim3A_83 = arith.constant 0.000000e+00 : f32
      %broadcast_in_dim3A_84 = vector.broadcast %broadcast_in_dim3A_83 : f32 to vector<16xf32>
      %swap3A_85 = arith.index_cast %scan3A_42 : i32 to index
      %swap3A_86 = arith.constant 96 : index
      %swap3A_87 = tpu.vector_load %arg8[%swap3A_85, %swap3A_86] {strides = array<i32>} : memref<128x128xf32, #tpu.memory_space<vmem>>, vector<1x16xf32>,
      %swap3A_88 = vector.shape_cast %swap3A_87 : vector<1x16xf32> to vector<16xf32>
      %swap3A_89 = vector.shape_cast %broadcast_in_dim3A_84 : vector<16xf32> to vector<1x16xf32>
      tpu.vector_store %arg8[%swap3A_85, %swap3A_86], %swap3A_89 {strides = array<i32>} : memref<128x128xf32, #tpu.memory_space<vmem>>, vector<1x16xf32>,
      %broadcast_in_dim3A_90 = arith.constant 0.000000e+00 : f32
      %broadcast_in_dim3A_91 = vector.broadcast %broadcast_in_dim3A_90 : f32 to vector<16xf32>
      %swap3A_92 = arith.index_cast %scan3A_42 : i32 to index
      %swap3A_93 = arith.constant 112 : index
      %swap3A_94 = tpu.vector_load %arg8[%swap3A_92, %swap3A_93] {strides = array<i32>} : memref<128x128xf32, #tpu.memory_space<vmem>>, vector<1x16xf32>,
      %swap3A_95 = vector.shape_cast %swap3A_94 : vector<1x16xf32> to vector<16xf32>
      %swap3A_96 = vector.shape_cast %broadcast_in_dim3A_91 : vector<16xf32> to vector<1x16xf32>
      tpu.vector_store %arg8[%swap3A_92, %swap3A_93], %swap3A_96 {strides = array<i32>} : memref<128x128xf32, #tpu.memory_space<vmem>>, vector<1x16xf32>,
    }
    %scan3A_5 = arith.constant 128 : i32
    %mul3A_6 = arith.constant 632 : i32
    %mul3A_7 = arith.muli %arg1, %mul3A_6 : i32
    %add3A_8 = arith.constant 0 : i32
    %add3A_9 = arith.addi %mul3A_7, %add3A_8 : i32
    "tpu.region"() ({
      %run_scoped3A = tpu.sem_alloc : memref<!tpu.dma_semaphore, #tpu.memory_space<semaphore_mem>>
      %dma_start3A = arith.constant 0 : i32
      %dma_start3A_42 = tpu.memref_slice %arg9[%add3A_9, %dma_start3A] : memref<10112x128xf32, #tpu.memory_space<vmem_shared>> -> memref<128x128xf32, #tpu.memory_space<vmem_shared>>
      %dma_start3A_43 = arith.constant 0 : i32
      %dma_start3A_44 = tpu.memref_slice %arg9[%add3A_9, %dma_start3A_43] : memref<10112x128xf32, #tpu.memory_space<vmem_shared>> -> memref<128x128xf32, #tpu.memory_space<vmem_shared>>
      tpu.enqueue_dma source(%arg8 : memref<128x128xf32, #tpu.memory_space<vmem>>) target(%dma_start3A_44 : memref<128x128xf32, #tpu.memory_space<vmem_shared>>) target_semaphore(%run_scoped3A : memref<!tpu.dma_semaphore, #tpu.memory_space<semaphore_mem>>)
      %dma_wait3A = arith.constant 0 : i32
      %dma_wait3A_45 = tpu.memref_slice %arg9[%add3A_9, %dma_wait3A] : memref<10112x128xf32, #tpu.memory_space<vmem_shared>> -> memref<128x128xf32, #tpu.memory_space<vmem_shared>>
      %dma_wait3A_46 = arith.constant 0 : i32
      %dma_wait3A_47 = tpu.memref_slice %arg9[%add3A_9, %dma_wait3A_46] : memref<10112x128xf32, #tpu.memory_space<vmem_shared>> -> memref<128x128xf32, #tpu.memory_space<vmem_shared>>
      tpu.wait_dma2 semaphore(%run_scoped3A : memref<!tpu.dma_semaphore, #tpu.memory_space<semaphore_mem>>) src(%arg8 : memref<128x128xf32, #tpu.memory_space<vmem>>) dst(%dma_wait3A_47 : memref<128x128xf32, #tpu.memory_space<vmem_shared>>)
      tpu.yield
    }) : () -> ()
    %mul3A_10 = arith.constant 632 : i32
    %mul3A_11 = arith.muli %arg1, %mul3A_10 : i32
    %add3A_12 = arith.constant 128 : i32
    %add3A_13 = arith.addi %mul3A_11, %add3A_12 : i32
    "tpu.region"() ({
      %run_scoped3A = tpu.sem_alloc : memref<!tpu.dma_semaphore, #tpu.memory_space<semaphore_mem>>
      %dma_start3A = arith.constant 0 : i32
      %dma_start3A_42 = tpu.memref_slice %arg9[%add3A_13, %dma_start3A] : memref<10112x128xf32, #tpu.memory_space<vmem_shared>> -> memref<128x128xf32, #tpu.memory_space<vmem_shared>>
      %dma_start3A_43 = arith.constant 0 : i32
      %dma_start3A_44 = tpu.memref_slice %arg9[%add3A_13, %dma_start3A_43] : memref<10112x128xf32, #tpu.memory_space<vmem_shared>> -> memref<128x128xf32, #tpu.memory_space<vmem_shared>>
      tpu.enqueue_dma source(%arg8 : memref<128x128xf32, #tpu.memory_space<vmem>>) target(%dma_start3A_44 : memref<128x128xf32, #tpu.memory_space<vmem_shared>>) target_semaphore(%run_scoped3A : memref<!tpu.dma_semaphore, #tpu.memory_space<semaphore_mem>>)
      %dma_wait3A = arith.constant 0 : i32
      %dma_wait3A_45 = tpu.memref_slice %arg9[%add3A_13, %dma_wait3A] : memref<10112x128xf32, #tpu.memory_space<vmem_shared>> -> memref<128x128xf32, #tpu.memory_space<vmem_shared>>
      %dma_wait3A_46 = arith.constant 0 : i32
      %dma_wait3A_47 = tpu.memref_slice %arg9[%add3A_13, %dma_wait3A_46] : memref<10112x128xf32, #tpu.memory_space<vmem_shared>> -> memref<128x128xf32, #tpu.memory_space<vmem_shared>>
      tpu.wait_dma2 semaphore(%run_scoped3A : memref<!tpu.dma_semaphore, #tpu.memory_space<semaphore_mem>>) src(%arg8 : memref<128x128xf32, #tpu.memory_space<vmem>>) dst(%dma_wait3A_47 : memref<128x128xf32, #tpu.memory_space<vmem_shared>>)
      tpu.yield
    }) : () -> ()
    %mul3A_14 = arith.constant 632 : i32
    %mul3A_15 = arith.muli %arg1, %mul3A_14 : i32
    %add3A_16 = arith.constant 256 : i32
    %add3A_17 = arith.addi %mul3A_15, %add3A_16 : i32
    "tpu.region"() ({
      %run_scoped3A = tpu.sem_alloc : memref<!tpu.dma_semaphore, #tpu.memory_space<semaphore_mem>>
      %dma_start3A = arith.constant 0 : i32
      %dma_start3A_42 = tpu.memref_slice %arg9[%add3A_17, %dma_start3A] : memref<10112x128xf32, #tpu.memory_space<vmem_shared>> -> memref<128x128xf32, #tpu.memory_space<vmem_shared>>
      %dma_start3A_43 = arith.constant 0 : i32
      %dma_start3A_44 = tpu.memref_slice %arg9[%add3A_17, %dma_start3A_43] : memref<10112x128xf32, #tpu.memory_space<vmem_shared>> -> memref<128x128xf32, #tpu.memory_space<vmem_shared>>
      tpu.enqueue_dma source(%arg8 : memref<128x128xf32, #tpu.memory_space<vmem>>) target(%dma_start3A_44 : memref<128x128xf32, #tpu.memory_space<vmem_shared>>) target_semaphore(%run_scoped3A : memref<!tpu.dma_semaphore, #tpu.memory_space<semaphore_mem>>)
      %dma_wait3A = arith.constant 0 : i32
      %dma_wait3A_45 = tpu.memref_slice %arg9[%add3A_17, %dma_wait3A] : memref<10112x128xf32, #tpu.memory_space<vmem_shared>> -> memref<128x128xf32, #tpu.memory_space<vmem_shared>>
      %dma_wait3A_46 = arith.constant 0 : i32
      %dma_wait3A_47 = tpu.memref_slice %arg9[%add3A_17, %dma_wait3A_46] : memref<10112x128xf32, #tpu.memory_space<vmem_shared>> -> memref<128x128xf32, #tpu.memory_space<vmem_shared>>
      tpu.wait_dma2 semaphore(%run_scoped3A : memref<!tpu.dma_semaphore, #tpu.memory_space<semaphore_mem>>) src(%arg8 : memref<128x128xf32, #tpu.memory_space<vmem>>) dst(%dma_wait3A_47 : memref<128x128xf32, #tpu.memory_space<vmem_shared>>)
      tpu.yield
    }) : () -> ()
    %mul3A_18 = arith.constant 632 : i32
    %mul3A_19 = arith.muli %arg1, %mul3A_18 : i32
    %add3A_20 = arith.constant 384 : i32
    %add3A_21 = arith.addi %mul3A_19, %add3A_20 : i32
    "tpu.region"() ({
      %run_scoped3A = tpu.sem_alloc : memref<!tpu.dma_semaphore, #tpu.memory_space<semaphore_mem>>
      %dma_start3A = arith.constant 0 : i32
      %dma_start3A_42 = tpu.memref_slice %arg9[%add3A_21, %dma_start3A] : memref<10112x128xf32, #tpu.memory_space<vmem_shared>> -> memref<128x128xf32, #tpu.memory_space<vmem_shared>>
      %dma_start3A_43 = arith.constant 0 : i32
      %dma_start3A_44 = tpu.memref_slice %arg9[%add3A_21, %dma_start3A_43] : memref<10112x128xf32, #tpu.memory_space<vmem_shared>> -> memref<128x128xf32, #tpu.memory_space<vmem_shared>>
      tpu.enqueue_dma source(%arg8 : memref<128x128xf32, #tpu.memory_space<vmem>>) target(%dma_start3A_44 : memref<128x128xf32, #tpu.memory_space<vmem_shared>>) target_semaphore(%run_scoped3A : memref<!tpu.dma_semaphore, #tpu.memory_space<semaphore_mem>>)
      %dma_wait3A = arith.constant 0 : i32
      %dma_wait3A_45 = tpu.memref_slice %arg9[%add3A_21, %dma_wait3A] : memref<10112x128xf32, #tpu.memory_space<vmem_shared>> -> memref<128x128xf32, #tpu.memory_space<vmem_shared>>
      %dma_wait3A_46 = arith.constant 0 : i32
      %dma_wait3A_47 = tpu.memref_slice %arg9[%add3A_21, %dma_wait3A_46] : memref<10112x128xf32, #tpu.memory_space<vmem_shared>> -> memref<128x128xf32, #tpu.memory_space<vmem_shared>>
      tpu.wait_dma2 semaphore(%run_scoped3A : memref<!tpu.dma_semaphore, #tpu.memory_space<semaphore_mem>>) src(%arg8 : memref<128x128xf32, #tpu.memory_space<vmem>>) dst(%dma_wait3A_47 : memref<128x128xf32, #tpu.memory_space<vmem_shared>>)
      tpu.yield
    }) : () -> ()
    %mul3A_22 = arith.constant 632 : i32
    %mul3A_23 = arith.muli %arg1, %mul3A_22 : i32
    %add3A_24 = arith.constant 512 : i32
    %add3A_25 = arith.addi %mul3A_23, %add3A_24 : i32
    "tpu.region"() ({
      %run_scoped3A = tpu.sem_alloc : memref<!tpu.dma_semaphore, #tpu.memory_space<semaphore_mem>>
      %dma_start3A = arith.constant 0 : i32
      %dma_start3A_42 = arith.constant 0 : i32
      %dma_start3A_43 = tpu.memref_slice %arg8[%dma_start3A, %dma_start3A_42] : memref<128x128xf32, #tpu.memory_space<vmem>> -> memref<120x128xf32, #tpu.memory_space<vmem>>
      %dma_start3A_44 = arith.constant 0 : i32
      %dma_start3A_45 = tpu.memref_slice %arg9[%add3A_25, %dma_start3A_44] : memref<10112x128xf32, #tpu.memory_space<vmem_shared>> -> memref<120x128xf32, #tpu.memory_space<vmem_shared>>
      %dma_start3A_46 = arith.constant 0 : i32
      %dma_start3A_47 = tpu.memref_slice %arg9[%add3A_25, %dma_start3A_46] : memref<10112x128xf32, #tpu.memory_space<vmem_shared>> -> memref<120x128xf32, #tpu.memory_space<vmem_shared>>
      %dma_start3A_48 = arith.constant 0 : i32
      %dma_start3A_49 = arith.constant 0 : i32
      %dma_start3A_50 = tpu.memref_slice %arg8[%dma_start3A_48, %dma_start3A_49] : memref<128x128xf32, #tpu.memory_space<vmem>> -> memref<120x128xf32, #tpu.memory_space<vmem>>
      tpu.enqueue_dma source(%dma_start3A_50 : memref<120x128xf32, #tpu.memory_space<vmem>>) target(%dma_start3A_47 : memref<120x128xf32, #tpu.memory_space<vmem_shared>>) target_semaphore(%run_scoped3A : memref<!tpu.dma_semaphore, #tpu.memory_space<semaphore_mem>>)
      %dma_wait3A = arith.constant 0 : i32
      %dma_wait3A_51 = arith.constant 0 : i32
      %dma_wait3A_52 = tpu.memref_slice %arg8[%dma_wait3A, %dma_wait3A_51] : memref<128x128xf32, #tpu.memory_space<vmem>> -> memref<120x128xf32, #tpu.memory_space<vmem>>
      %dma_wait3A_53 = arith.constant 0 : i32
      %dma_wait3A_54 = tpu.memref_slice %arg9[%add3A_25, %dma_wait3A_53] : memref<10112x128xf32, #tpu.memory_space<vmem_shared>> -> memref<120x128xf32, #tpu.memory_space<vmem_shared>>
      %dma_wait3A_55 = arith.constant 0 : i32
      %dma_wait3A_56 = tpu.memref_slice %arg9[%add3A_25, %dma_wait3A_55] : memref<10112x128xf32, #tpu.memory_space<vmem_shared>> -> memref<120x128xf32, #tpu.memory_space<vmem_shared>>
      %dma_wait3A_57 = arith.constant 0 : i32
      %dma_wait3A_58 = arith.constant 0 : i32
      %dma_wait3A_59 = tpu.memref_slice %arg8[%dma_wait3A_57, %dma_wait3A_58] : memref<128x128xf32, #tpu.memory_space<vmem>> -> memref<120x128xf32, #tpu.memory_space<vmem>>
      tpu.wait_dma2 semaphore(%run_scoped3A : memref<!tpu.dma_semaphore, #tpu.memory_space<semaphore_mem>>) src(%dma_wait3A_59 : memref<120x128xf32, #tpu.memory_space<vmem>>) dst(%dma_wait3A_56 : memref<120x128xf32, #tpu.memory_space<vmem_shared>>)
      tpu.yield
    }) : () -> ()
    %barrier3A = arith.constant 0 : index
    tpu.barrier barrier_id(%barrier3A)
    %eq3A = arith.constant 0 : i32
    %eq3A_26 = arith.cmpi eq, %arg0, %eq3A : i32
    %jit3A = arith.constant 118 : i32
    %jit3A_27 = arith.constant 40 : i32
    %select_n3A = arith.select %eq3A_26, %jit3A, %jit3A_27 : i32
    %while3A = arith.constant 0 : i32
    %while3A_28 = arith.constant 0 : i32
    %while3A_29 = arith.subi %select_n3A, %while3A_28 : i32
    %while3A_30 = arith.addi %while3A_28, %while3A_29 : i32
    %while3A_31 = arith.constant 1 : i32
    %while3A_32 = arith.divsi %while3A_29, %while3A_31 : i32
    %while3A_33 = arith.muli %while3A_32, %while3A_31 : i32
    %while3A_34 = arith.addi %while3A_28, %while3A_33 : i32
    %while3A_35 = arith.constant 1 : i32
    scf.for %while3A_42 = %while3A_28 to %while3A_34 step %while3A_35  : i32 {
      "tpu.region"() ({
        %run_scoped3A = tpu.sem_alloc : memref<!tpu.dma_semaphore, #tpu.memory_space<semaphore_mem>>
        %dma_start3A = arith.constant 0 : i32
        %dma_start3A_43 = tpu.memref_slice %arg6[%while3A_42, %dma_start3A] : memref<118x128xi32, #tpu.memory_space<vmem>> -> memref<1x128xi32, #tpu.memory_space<vmem>>
        %dma_start3A_44 = tpu.memref_squeeze %dma_start3A_43 : memref<1x128xi32, #tpu.memory_space<vmem>> -> memref<128xi32, #tpu.memory_space<vmem>>
        %dma_start3A_45 = arith.constant 0 : i32
        %dma_start3A_46 = arith.constant 0 : i32
        %dma_start3A_47 = tpu.memref_slice %arg2[%dma_start3A_45, %dma_start3A_46] : memref<10112x128xf32, #tpu.memory_space<hbm>> -> memref<10112x128xf32, #tpu.memory_space<hbm>>
        tpu.enqueue_indirect_dma source(%dma_start3A_47 : memref<10112x128xf32, #tpu.memory_space<hbm>>) target(%arg8 : memref<128x128xf32, #tpu.memory_space<vmem>>) offsets(%dma_start3A_44 : memref<128xi32, #tpu.memory_space<vmem>>) semaphore(%run_scoped3A : memref<!tpu.dma_semaphore, #tpu.memory_space<semaphore_mem>>)
        %dma_wait3A = arith.constant 0 : i32
        %dma_wait3A_48 = tpu.memref_slice %arg6[%while3A_42, %dma_wait3A] : memref<118x128xi32, #tpu.memory_space<vmem>> -> memref<1x128xi32, #tpu.memory_space<vmem>>
        %dma_wait3A_49 = tpu.memref_squeeze %dma_wait3A_48 : memref<1x128xi32, #tpu.memory_space<vmem>> -> memref<128xi32, #tpu.memory_space<vmem>>
        %dma_wait3A_50 = arith.constant 0 : i32
        %dma_wait3A_51 = arith.constant 0 : i32
        %dma_wait3A_52 = tpu.memref_slice %arg2[%dma_wait3A_50, %dma_wait3A_51] : memref<10112x128xf32, #tpu.memory_space<hbm>> -> memref<10112x128xf32, #tpu.memory_space<hbm>>
        tpu.wait_indirect_dma semaphore(%run_scoped3A : memref<!tpu.dma_semaphore, #tpu.memory_space<semaphore_mem>>) src(%dma_wait3A_52 : memref<10112x128xf32, #tpu.memory_space<hbm>>) dst(%arg8 : memref<128x128xf32, #tpu.memory_space<vmem>>)
        tpu.yield
      }) : () -> ()
      "tpu.region"() ({
        %run_scoped3A = tpu.sem_alloc : memref<!tpu.dma_semaphore, #tpu.memory_space<semaphore_mem>>
        %dma_start3A = arith.constant 0 : i32
        %dma_start3A_43 = tpu.memref_slice %arg7[%while3A_42, %dma_start3A] : memref<118x128xi32, #tpu.memory_space<vmem>> -> memref<1x128xi32, #tpu.memory_space<vmem>>
        %dma_start3A_44 = tpu.memref_squeeze %dma_start3A_43 : memref<1x128xi32, #tpu.memory_space<vmem>> -> memref<128xi32, #tpu.memory_space<vmem>>
        %dma_start3A_45 = arith.constant 0 : i32
        %dma_start3A_46 = arith.constant 0 : i32
        %dma_start3A_47 = tpu.memref_slice %arg9[%dma_start3A_45, %dma_start3A_46] : memref<10112x128xf32, #tpu.memory_space<vmem_shared>> -> memref<10112x128xf32, #tpu.memory_space<vmem_shared>>
        tpu.enqueue_indirect_dma source(%arg8 : memref<128x128xf32, #tpu.memory_space<vmem>>) target(%dma_start3A_47 : memref<10112x128xf32, #tpu.memory_space<vmem_shared>>) offsets(%dma_start3A_44 : memref<128xi32, #tpu.memory_space<vmem>>) semaphore(%run_scoped3A : memref<!tpu.dma_semaphore, #tpu.memory_space<semaphore_mem>>) {add = true}
        %dma_wait3A = arith.constant 0 : i32
        %dma_wait3A_48 = tpu.memref_slice %arg7[%while3A_42, %dma_wait3A] : memref<118x128xi32, #tpu.memory_space<vmem>> -> memref<1x128xi32, #tpu.memory_space<vmem>>
        %dma_wait3A_49 = tpu.memref_squeeze %dma_wait3A_48 : memref<1x128xi32, #tpu.memory_space<vmem>> -> memref<128xi32, #tpu.memory_space<vmem>>
        %dma_wait3A_50 = arith.constant 0 : i32
        %dma_wait3A_51 = arith.constant 0 : i32
        %dma_wait3A_52 = tpu.memref_slice %arg9[%dma_wait3A_50, %dma_wait3A_51] : memref<10112x128xf32, #tpu.memory_space<vmem_shared>> -> memref<10112x128xf32, #tpu.memory_space<vmem_shared>>
        tpu.wait_indirect_dma semaphore(%run_scoped3A : memref<!tpu.dma_semaphore, #tpu.memory_space<semaphore_mem>>) src(%arg8 : memref<128x128xf32, #tpu.memory_space<vmem>>) dst(%dma_wait3A_52 : memref<10112x128xf32, #tpu.memory_space<vmem_shared>>)
        tpu.yield
      }) : () -> ()
    }
    %while3A_36 = arith.constant 1 : i32
    scf.for %while3A_42 = %while3A_34 to %while3A_30 step %while3A_36  : i32 {
      "tpu.region"() ({
        %run_scoped3A = tpu.sem_alloc : memref<!tpu.dma_semaphore, #tpu.memory_space<semaphore_mem>>
        %dma_start3A = arith.constant 0 : i32
        %dma_start3A_43 = tpu.memref_slice %arg6[%while3A_42, %dma_start3A] : memref<118x128xi32, #tpu.memory_space<vmem>> -> memref<1x128xi32, #tpu.memory_space<vmem>>
        %dma_start3A_44 = tpu.memref_squeeze %dma_start3A_43 : memref<1x128xi32, #tpu.memory_space<vmem>> -> memref<128xi32, #tpu.memory_space<vmem>>
        %dma_start3A_45 = arith.constant 0 : i32
        %dma_start3A_46 = arith.constant 0 : i32
        %dma_start3A_47 = tpu.memref_slice %arg2[%dma_start3A_45, %dma_start3A_46] : memref<10112x128xf32, #tpu.memory_space<hbm>> -> memref<10112x128xf32, #tpu.memory_space<hbm>>
        tpu.enqueue_indirect_dma source(%dma_start3A_47 : memref<10112x128xf32, #tpu.memory_space<hbm>>) target(%arg8 : memref<128x128xf32, #tpu.memory_space<vmem>>) offsets(%dma_start3A_44 : memref<128xi32, #tpu.memory_space<vmem>>) semaphore(%run_scoped3A : memref<!tpu.dma_semaphore, #tpu.memory_space<semaphore_mem>>)
        %dma_wait3A = arith.constant 0 : i32
        %dma_wait3A_48 = tpu.memref_slice %arg6[%while3A_42, %dma_wait3A] : memref<118x128xi32, #tpu.memory_space<vmem>> -> memref<1x128xi32, #tpu.memory_space<vmem>>
        %dma_wait3A_49 = tpu.memref_squeeze %dma_wait3A_48 : memref<1x128xi32, #tpu.memory_space<vmem>> -> memref<128xi32, #tpu.memory_space<vmem>>
        %dma_wait3A_50 = arith.constant 0 : i32
        %dma_wait3A_51 = arith.constant 0 : i32
        %dma_wait3A_52 = tpu.memref_slice %arg2[%dma_wait3A_50, %dma_wait3A_51] : memref<10112x128xf32, #tpu.memory_space<hbm>> -> memref<10112x128xf32, #tpu.memory_space<hbm>>
        tpu.wait_indirect_dma semaphore(%run_scoped3A : memref<!tpu.dma_semaphore, #tpu.memory_space<semaphore_mem>>) src(%dma_wait3A_52 : memref<10112x128xf32, #tpu.memory_space<hbm>>) dst(%arg8 : memref<128x128xf32, #tpu.memory_space<vmem>>)
        tpu.yield
      }) : () -> ()
      "tpu.region"() ({
        %run_scoped3A = tpu.sem_alloc : memref<!tpu.dma_semaphore, #tpu.memory_space<semaphore_mem>>
        %dma_start3A = arith.constant 0 : i32
        %dma_start3A_43 = tpu.memref_slice %arg7[%while3A_42, %dma_start3A] : memref<118x128xi32, #tpu.memory_space<vmem>> -> memref<1x128xi32, #tpu.memory_space<vmem>>
        %dma_start3A_44 = tpu.memref_squeeze %dma_start3A_43 : memref<1x128xi32, #tpu.memory_space<vmem>> -> memref<128xi32, #tpu.memory_space<vmem>>
        %dma_start3A_45 = arith.constant 0 : i32
        %dma_start3A_46 = arith.constant 0 : i32
        %dma_start3A_47 = tpu.memref_slice %arg9[%dma_start3A_45, %dma_start3A_46] : memref<10112x128xf32, #tpu.memory_space<vmem_shared>> -> memref<10112x128xf32, #tpu.memory_space<vmem_shared>>
        tpu.enqueue_indirect_dma source(%arg8 : memref<128x128xf32, #tpu.memory_space<vmem>>) target(%dma_start3A_47 : memref<10112x128xf32, #tpu.memory_space<vmem_shared>>) offsets(%dma_start3A_44 : memref<128xi32, #tpu.memory_space<vmem>>) semaphore(%run_scoped3A : memref<!tpu.dma_semaphore, #tpu.memory_space<semaphore_mem>>) {add = true}
        %dma_wait3A = arith.constant 0 : i32
        %dma_wait3A_48 = tpu.memref_slice %arg7[%while3A_42, %dma_wait3A] : memref<118x128xi32, #tpu.memory_space<vmem>> -> memref<1x128xi32, #tpu.memory_space<vmem>>
        %dma_wait3A_49 = tpu.memref_squeeze %dma_wait3A_48 : memref<1x128xi32, #tpu.memory_space<vmem>> -> memref<128xi32, #tpu.memory_space<vmem>>
        %dma_wait3A_50 = arith.constant 0 : i32
        %dma_wait3A_51 = arith.constant 0 : i32
        %dma_wait3A_52 = tpu.memref_slice %arg9[%dma_wait3A_50, %dma_wait3A_51] : memref<10112x128xf32, #tpu.memory_space<vmem_shared>> -> memref<10112x128xf32, #tpu.memory_space<vmem_shared>>
        tpu.wait_indirect_dma semaphore(%run_scoped3A : memref<!tpu.dma_semaphore, #tpu.memory_space<semaphore_mem>>) src(%arg8 : memref<128x128xf32, #tpu.memory_space<vmem>>) dst(%dma_wait3A_52 : memref<10112x128xf32, #tpu.memory_space<vmem_shared>>)
        tpu.yield
      }) : () -> ()
    }
    %barrier3A_37 = arith.constant 0 : index
    tpu.barrier barrier_id(%barrier3A_37)
    %mul3A_38 = arith.constant 632 : i32
    %mul3A_39 = arith.muli %arg1, %mul3A_38 : i32
    %mul3A_40 = arith.constant 632 : i32
    %mul3A_41 = arith.muli %arg1, %mul3A_40 : i32
    "tpu.region"() ({
      %run_scoped3A = tpu.sem_alloc : memref<!tpu.dma_semaphore, #tpu.memory_space<semaphore_mem>>
      %dma_start3A = arith.constant 0 : i32
      %dma_start3A_42 = tpu.memref_slice %arg5[%arg0, %mul3A_41, %dma_start3A] : memref<2x10112x128xf32, #tpu.memory_space<hbm>> -> memref<1x632x128xf32, #tpu.memory_space<hbm>>
      %dma_start3A_43 = tpu.memref_squeeze %dma_start3A_42 : memref<1x632x128xf32, #tpu.memory_space<hbm>> -> memref<632x128xf32, #tpu.memory_space<hbm>>
      %dma_start3A_44 = arith.constant 0 : i32
      %dma_start3A_45 = tpu.memref_slice %arg9[%mul3A_39, %dma_start3A_44] : memref<10112x128xf32, #tpu.memory_space<vmem_shared>> -> memref<632x128xf32, #tpu.memory_space<vmem_shared>>
      tpu.enqueue_dma source(%dma_start3A_45 : memref<632x128xf32, #tpu.memory_space<vmem_shared>>) target(%dma_start3A_43 : memref<632x128xf32, #tpu.memory_space<hbm>>) target_semaphore(%run_scoped3A : memref<!tpu.dma_semaphore, #tpu.memory_space<semaphore_mem>>)
      %dma_wait3A = arith.constant 0 : i32
      %dma_wait3A_46 = tpu.memref_slice %arg5[%arg0, %mul3A_41, %dma_wait3A] : memref<2x10112x128xf32, #tpu.memory_space<hbm>> -> memref<1x632x128xf32, #tpu.memory_space<hbm>>
      %dma_wait3A_47 = tpu.memref_squeeze %dma_wait3A_46 : memref<1x632x128xf32, #tpu.memory_space<hbm>> -> memref<632x128xf32, #tpu.memory_space<hbm>>
      %dma_wait3A_48 = arith.constant 0 : i32
      %dma_wait3A_49 = tpu.memref_slice %arg9[%mul3A_39, %dma_wait3A_48] : memref<10112x128xf32, #tpu.memory_space<vmem_shared>> -> memref<632x128xf32, #tpu.memory_space<vmem_shared>>
      tpu.wait_dma2 semaphore(%run_scoped3A : memref<!tpu.dma_semaphore, #tpu.memory_space<semaphore_mem>>) src(%dma_wait3A_49 : memref<632x128xf32, #tpu.memory_space<vmem_shared>>) dst(%dma_wait3A_47 : memref<632x128xf32, #tpu.memory_space<hbm>>)
      tpu.yield
    }) : () -> ()
    return
  }
}

#map = affine_map<(d0, d1) -> (0, 0)>
#map1 = affine_map<(d0, d1) -> (0, 0, 0)>
module attributes {stable_mosaic.version = 14 : i64} {
  func.func @k(%arg0: i32, %arg1: i32, %arg2: memref<10112x128xf32, #tpu.memory_space<hbm>>, %arg3: memref<32x118x128xi32, #tpu.memory_space<hbm>>, %arg4: memref<32x118x128xi32, #tpu.memory_space<hbm>>, %arg5: memref<2x10112x128xf32, #tpu.memory_space<hbm>>, %arg6: memref<118x128xi32, #tpu.memory_space<vmem>>, %arg7: memref<118x128xi32, #tpu.memory_space<vmem>>, %arg8: memref<128x128xf32, #tpu.memory_space<vmem>>, %arg9: memref<10112x128xf32, #tpu.memory_space<vmem_shared>>) attributes {dimension_semantics = [#tpu.dimension_semantics<core_parallel>, #tpu.dimension_semantics<subcore_parallel>], iteration_bounds = array<i64: 2, 16>, scalar_prefetch = 0 : i64, scratch_operands = 4 : i64, tpu.core_type = #tpu.core_type<sc_vector_subcore>, window_params = [{transform_indices = #map}, {transform_indices = #map1}, {transform_indices = #map1}, {transform_indices = #map1}]} {
    %mul3A = arith.constant 2 : i32
    %mul3A_0 = arith.muli %arg1, %mul3A : i32
    %add3A = arith.addi %mul3A_0, %arg0 : i32
    "tpu.region"() ({
      %run_scoped3A = tpu.sem_alloc : memref<!tpu.dma_semaphore, #tpu.memory_space<semaphore_mem>>
      %dma_start3A = arith.constant 0 : i32
      %dma_start3A_42 = arith.constant 0 : i32
      %dma_start3A_43 = tpu.memref_slice %arg3[%add3A, %dma_start3A, %dma_start3A_42] : memref<32x118x128xi32, #tpu.memory_space<hbm>> -> memref<1x118x128xi32, #tpu.memory_space<hbm>>
      %dma_start3A_44 = tpu.memref_squeeze %dma_start3A_43 : memref<1x118x128xi32, #tpu.memory_space<hbm>> -> memref<118x128xi32, #tpu.memory_space<hbm>>
      %dma_start3A_45 = arith.constant 0 : i32
      %dma_start3A_46 = arith.constant 0 : i32
      %dma_start3A_47 = tpu.memref_slice %arg3[%add3A, %dma_start3A_45, %dma_start3A_46] : memref<32x118x128xi32, #tpu.memory_space<hbm>> -> memref<1x118x128xi32, #tpu.memory_space<hbm>>
      %dma_start3A_48 = tpu.memref_squeeze %dma_start3A_47 : memref<1x118x128xi32, #tpu.memory_space<hbm>> -> memref<118x128xi32, #tpu.memory_space<hbm>>
      tpu.enqueue_dma source(%dma_start3A_48 : memref<118x128xi32, #tpu.memory_space<hbm>>) target(%arg6 : memref<118x128xi32, #tpu.memory_space<vmem>>) target_semaphore(%run_scoped3A : memref<!tpu.dma_semaphore, #tpu.memory_space<semaphore_mem>>)
      %dma_wait3A = arith.constant 0 : i32
      %dma_wait3A_49 = arith.constant 0 : i32
      %dma_wait3A_50 = tpu.memref_slice %arg3[%add3A, %dma_wait3A, %dma_wait3A_49] : memref<32x118x128xi32, #tpu.memory_space<hbm>> -> memref<1x118x128xi32, #tpu.memory_space<hbm>>
      %dma_wait3A_51 = tpu.memref_squeeze %dma_wait3A_50 : memref<1x118x128xi32, #tpu.memory_space<hbm>> -> memref<118x128xi32, #tpu.memory_space<hbm>>
      %dma_wait3A_52 = arith.constant 0 : i32
      %dma_wait3A_53 = arith.constant 0 : i32
      %dma_wait3A_54 = tpu.memref_slice %arg3[%add3A, %dma_wait3A_52, %dma_wait3A_53] : memref<32x118x128xi32, #tpu.memory_space<hbm>> -> memref<1x118x128xi32, #tpu.memory_space<hbm>>
      %dma_wait3A_55 = tpu.memref_squeeze %dma_wait3A_54 : memref<1x118x128xi32, #tpu.memory_space<hbm>> -> memref<118x128xi32, #tpu.memory_space<hbm>>
      tpu.wait_dma2 semaphore(%run_scoped3A : memref<!tpu.dma_semaphore, #tpu.memory_space<semaphore_mem>>) src(%dma_wait3A_55 : memref<118x128xi32, #tpu.memory_space<hbm>>) dst(%arg6 : memref<118x128xi32, #tpu.memory_space<vmem>>)
      tpu.yield
    }) : () -> ()
    "tpu.region"() ({
      %run_scoped3A = tpu.sem_alloc : memref<!tpu.dma_semaphore, #tpu.memory_space<semaphore_mem>>
      %dma_start3A = arith.constant 0 : i32
      %dma_start3A_42 = arith.constant 0 : i32
      %dma_start3A_43 = tpu.memref_slice %arg4[%add3A, %dma_start3A, %dma_start3A_42] : memref<32x118x128xi32, #tpu.memory_space<hbm>> -> memref<1x118x128xi32, #tpu.memory_space<hbm>>
      %dma_start3A_44 = tpu.memref_squeeze %dma_start3A_43 : memref<1x118x128xi32, #tpu.memory_space<hbm>> -> memref<118x128xi32, #tpu.memory_space<hbm>>
      %dma_start3A_45 = arith.constant 0 : i32
      %dma_start3A_46 = arith.constant 0 : i32
      %dma_start3A_47 = tpu.memref_slice %arg4[%add3A, %dma_start3A_45, %dma_start3A_46] : memref<32x118x128xi32, #tpu.memory_space<hbm>> -> memref<1x118x128xi32, #tpu.memory_space<hbm>>
      %dma_start3A_48 = tpu.memref_squeeze %dma_start3A_47 : memref<1x118x128xi32, #tpu.memory_space<hbm>> -> memref<118x128xi32, #tpu.memory_space<hbm>>
      tpu.enqueue_dma source(%dma_start3A_48 : memref<118x128xi32, #tpu.memory_space<hbm>>) target(%arg7 : memref<118x128xi32, #tpu.memory_space<vmem>>) target_semaphore(%run_scoped3A : memref<!tpu.dma_semaphore, #tpu.memory_space<semaphore_mem>>)
      %dma_wait3A = arith.constant 0 : i32
      %dma_wait3A_49 = arith.constant 0 : i32
      %dma_wait3A_50 = tpu.memref_slice %arg4[%add3A, %dma_wait3A, %dma_wait3A_49] : memref<32x118x128xi32, #tpu.memory_space<hbm>> -> memref<1x118x128xi32, #tpu.memory_space<hbm>>
      %dma_wait3A_51 = tpu.memref_squeeze %dma_wait3A_50 : memref<1x118x128xi32, #tpu.memory_space<hbm>> -> memref<118x128xi32, #tpu.memory_space<hbm>>
      %dma_wait3A_52 = arith.constant 0 : i32
      %dma_wait3A_53 = arith.constant 0 : i32
      %dma_wait3A_54 = tpu.memref_slice %arg4[%add3A, %dma_wait3A_52, %dma_wait3A_53] : memref<32x118x128xi32, #tpu.memory_space<hbm>> -> memref<1x118x128xi32, #tpu.memory_space<hbm>>
      %dma_wait3A_55 = tpu.memref_squeeze %dma_wait3A_54 : memref<1x118x128xi32, #tpu.memory_space<hbm>> -> memref<118x128xi32, #tpu.memory_space<hbm>>
      tpu.wait_dma2 semaphore(%run_scoped3A : memref<!tpu.dma_semaphore, #tpu.memory_space<semaphore_mem>>) src(%dma_wait3A_55 : memref<118x128xi32, #tpu.memory_space<hbm>>) dst(%arg7 : memref<118x128xi32, #tpu.memory_space<vmem>>)
      tpu.yield
    }) : () -> ()
    %scan3A = arith.constant 0 : i32
    %scan3A_1 = arith.constant 0 : i32
    %scan3A_2 = arith.constant 128 : i32
    %scan3A_3 = arith.addi %scan3A_1, %scan3A_2 : i32
    %scan3A_4 = arith.constant 1 : i32
    scf.for %scan3A_42 = %scan3A_1 to %scan3A_3 step %scan3A_4  : i32 {
      %broadcast_in_dim3A = arith.constant 0.000000e+00 : f32
      %broadcast_in_dim3A_43 = vector.broadcast %broadcast_in_dim3A : f32 to vector<16xf32>
      %swap3A = arith.index_cast %scan3A_42 : i32 to index
      %swap3A_44 = arith.constant 0 : index
      %swap3A_45 = tpu.vector_load %arg8[%swap3A, %swap3A_44] {strides = array<i32>} : memref<128x128xf32, #tpu.memory_space<vmem>>, vector<1x16xf32>,
      %swap3A_46 = vector.shape_cast %swap3A_45 : vector<1x16xf32> to vector<16xf32>
      %swap3A_47 = vector.shape_cast %broadcast_in_dim3A_43 : vector<16xf32> to vector<1x16xf32>
      tpu.vector_store %arg8[%swap3A, %swap3A_44], %swap3A_47 {strides = array<i32>} : memref<128x128xf32, #tpu.memory_space<vmem>>, vector<1x16xf32>,
      %broadcast_in_dim3A_48 = arith.constant 0.000000e+00 : f32
      %broadcast_in_dim3A_49 = vector.broadcast %broadcast_in_dim3A_48 : f32 to vector<16xf32>
      %swap3A_50 = arith.index_cast %scan3A_42 : i32 to index
      %swap3A_51 = arith.constant 16 : index
      %swap3A_52 = tpu.vector_load %arg8[%swap3A_50, %swap3A_51] {strides = array<i32>} : memref<128x128xf32, #tpu.memory_space<vmem>>, vector<1x16xf32>,
      %swap3A_53 = vector.shape_cast %swap3A_52 : vector<1x16xf32> to vector<16xf32>
      %swap3A_54 = vector.shape_cast %broadcast_in_dim3A_49 : vector<16xf32> to vector<1x16xf32>
      tpu.vector_store %arg8[%swap3A_50, %swap3A_51], %swap3A_54 {strides = array<i32>} : memref<128x128xf32, #tpu.memory_space<vmem>>, vector<1x16xf32>,
      %broadcast_in_dim3A_55 = arith.constant 0.000000e+00 : f32
      %broadcast_in_dim3A_56 = vector.broadcast %broadcast_in_dim3A_55 : f32 to vector<16xf32>
      %swap3A_57 = arith.index_cast %scan3A_42 : i32 to index
      %swap3A_58 = arith.constant 32 : index
      %swap3A_59 = tpu.vector_load %arg8[%swap3A_57, %swap3A_58] {strides = array<i32>} : memref<128x128xf32, #tpu.memory_space<vmem>>, vector<1x16xf32>,
      %swap3A_60 = vector.shape_cast %swap3A_59 : vector<1x16xf32> to vector<16xf32>
      %swap3A_61 = vector.shape_cast %broadcast_in_dim3A_56 : vector<16xf32> to vector<1x16xf32>
      tpu.vector_store %arg8[%swap3A_57, %swap3A_58], %swap3A_61 {strides = array<i32>} : memref<128x128xf32, #tpu.memory_space<vmem>>, vector<1x16xf32>,
      %broadcast_in_dim3A_62 = arith.constant 0.000000e+00 : f32
      %broadcast_in_dim3A_63 = vector.broadcast %broadcast_in_dim3A_62 : f32 to vector<16xf32>
      %swap3A_64 = arith.index_cast %scan3A_42 : i32 to index
      %swap3A_65 = arith.constant 48 : index
      %swap3A_66 = tpu.vector_load %arg8[%swap3A_64, %swap3A_65] {strides = array<i32>} : memref<128x128xf32, #tpu.memory_space<vmem>>, vector<1x16xf32>,
      %swap3A_67 = vector.shape_cast %swap3A_66 : vector<1x16xf32> to vector<16xf32>
      %swap3A_68 = vector.shape_cast %broadcast_in_dim3A_63 : vector<16xf32> to vector<1x16xf32>
      tpu.vector_store %arg8[%swap3A_64, %swap3A_65], %swap3A_68 {strides = array<i32>} : memref<128x128xf32, #tpu.memory_space<vmem>>, vector<1x16xf32>,
      %broadcast_in_dim3A_69 = arith.constant 0.000000e+00 : f32
      %broadcast_in_dim3A_70 = vector.broadcast %broadcast_in_dim3A_69 : f32 to vector<16xf32>
      %swap3A_71 = arith.index_cast %scan3A_42 : i32 to index
      %swap3A_72 = arith.constant 64 : index
      %swap3A_73 = tpu.vector_load %arg8[%swap3A_71, %swap3A_72] {strides = array<i32>} : memref<128x128xf32, #tpu.memory_space<vmem>>, vector<1x16xf32>,
      %swap3A_74 = vector.shape_cast %swap3A_73 : vector<1x16xf32> to vector<16xf32>
      %swap3A_75 = vector.shape_cast %broadcast_in_dim3A_70 : vector<16xf32> to vector<1x16xf32>
      tpu.vector_store %arg8[%swap3A_71, %swap3A_72], %swap3A_75 {strides = array<i32>} : memref<128x128xf32, #tpu.memory_space<vmem>>, vector<1x16xf32>,
      %broadcast_in_dim3A_76 = arith.constant 0.000000e+00 : f32
      %broadcast_in_dim3A_77 = vector.broadcast %broadcast_in_dim3A_76 : f32 to vector<16xf32>
      %swap3A_78 = arith.index_cast %scan3A_42 : i32 to index
      %swap3A_79 = arith.constant 80 : index
      %swap3A_80 = tpu.vector_load %arg8[%swap3A_78, %swap3A_79] {strides = array<i32>} : memref<128x128xf32, #tpu.memory_space<vmem>>, vector<1x16xf32>,
      %swap3A_81 = vector.shape_cast %swap3A_80 : vector<1x16xf32> to vector<16xf32>
      %swap3A_82 = vector.shape_cast %broadcast_in_dim3A_77 : vector<16xf32> to vector<1x16xf32>
      tpu.vector_store %arg8[%swap3A_78, %swap3A_79], %swap3A_82 {strides = array<i32>} : memref<128x128xf32, #tpu.memory_space<vmem>>, vector<1x16xf32>,
      %broadcast_in_dim3A_83 = arith.constant 0.000000e+00 : f32
      %broadcast_in_dim3A_84 = vector.broadcast %broadcast_in_dim3A_83 : f32 to vector<16xf32>
      %swap3A_85 = arith.index_cast %scan3A_42 : i32 to index
      %swap3A_86 = arith.constant 96 : index
      %swap3A_87 = tpu.vector_load %arg8[%swap3A_85, %swap3A_86] {strides = array<i32>} : memref<128x128xf32, #tpu.memory_space<vmem>>, vector<1x16xf32>,
      %swap3A_88 = vector.shape_cast %swap3A_87 : vector<1x16xf32> to vector<16xf32>
      %swap3A_89 = vector.shape_cast %broadcast_in_dim3A_84 : vector<16xf32> to vector<1x16xf32>
      tpu.vector_store %arg8[%swap3A_85, %swap3A_86], %swap3A_89 {strides = array<i32>} : memref<128x128xf32, #tpu.memory_space<vmem>>, vector<1x16xf32>,
      %broadcast_in_dim3A_90 = arith.constant 0.000000e+00 : f32
      %broadcast_in_dim3A_91 = vector.broadcast %broadcast_in_dim3A_90 : f32 to vector<16xf32>
      %swap3A_92 = arith.index_cast %scan3A_42 : i32 to index
      %swap3A_93 = arith.constant 112 : index
      %swap3A_94 = tpu.vector_load %arg8[%swap3A_92, %swap3A_93] {strides = array<i32>} : memref<128x128xf32, #tpu.memory_space<vmem>>, vector<1x16xf32>,
      %swap3A_95 = vector.shape_cast %swap3A_94 : vector<1x16xf32> to vector<16xf32>
      %swap3A_96 = vector.shape_cast %broadcast_in_dim3A_91 : vector<16xf32> to vector<1x16xf32>
      tpu.vector_store %arg8[%swap3A_92, %swap3A_93], %swap3A_96 {strides = array<i32>} : memref<128x128xf32, #tpu.memory_space<vmem>>, vector<1x16xf32>,
    }
    %scan3A_5 = arith.constant 128 : i32
    %mul3A_6 = arith.constant 632 : i32
    %mul3A_7 = arith.muli %arg1, %mul3A_6 : i32
    %add3A_8 = arith.constant 0 : i32
    %add3A_9 = arith.addi %mul3A_7, %add3A_8 : i32
    "tpu.region"() ({
      %run_scoped3A = tpu.sem_alloc : memref<!tpu.dma_semaphore, #tpu.memory_space<semaphore_mem>>
      %dma_start3A = arith.constant 0 : i32
      %dma_start3A_42 = tpu.memref_slice %arg9[%add3A_9, %dma_start3A] : memref<10112x128xf32, #tpu.memory_space<vmem_shared>> -> memref<128x128xf32, #tpu.memory_space<vmem_shared>>
      %dma_start3A_43 = arith.constant 0 : i32
      %dma_start3A_44 = tpu.memref_slice %arg9[%add3A_9, %dma_start3A_43] : memref<10112x128xf32, #tpu.memory_space<vmem_shared>> -> memref<128x128xf32, #tpu.memory_space<vmem_shared>>
      tpu.enqueue_dma source(%arg8 : memref<128x128xf32, #tpu.memory_space<vmem>>) target(%dma_start3A_44 : memref<128x128xf32, #tpu.memory_space<vmem_shared>>) target_semaphore(%run_scoped3A : memref<!tpu.dma_semaphore, #tpu.memory_space<semaphore_mem>>)
      %dma_wait3A = arith.constant 0 : i32
      %dma_wait3A_45 = tpu.memref_slice %arg9[%add3A_9, %dma_wait3A] : memref<10112x128xf32, #tpu.memory_space<vmem_shared>> -> memref<128x128xf32, #tpu.memory_space<vmem_shared>>
      %dma_wait3A_46 = arith.constant 0 : i32
      %dma_wait3A_47 = tpu.memref_slice %arg9[%add3A_9, %dma_wait3A_46] : memref<10112x128xf32, #tpu.memory_space<vmem_shared>> -> memref<128x128xf32, #tpu.memory_space<vmem_shared>>
      tpu.wait_dma2 semaphore(%run_scoped3A : memref<!tpu.dma_semaphore, #tpu.memory_space<semaphore_mem>>) src(%arg8 : memref<128x128xf32, #tpu.memory_space<vmem>>) dst(%dma_wait3A_47 : memref<128x128xf32, #tpu.memory_space<vmem_shared>>)
      tpu.yield
    }) : () -> ()
    %mul3A_10 = arith.constant 632 : i32
    %mul3A_11 = arith.muli %arg1, %mul3A_10 : i32
    %add3A_12 = arith.constant 128 : i32
    %add3A_13 = arith.addi %mul3A_11, %add3A_12 : i32
    "tpu.region"() ({
      %run_scoped3A = tpu.sem_alloc : memref<!tpu.dma_semaphore, #tpu.memory_space<semaphore_mem>>
      %dma_start3A = arith.constant 0 : i32
      %dma_start3A_42 = tpu.memref_slice %arg9[%add3A_13, %dma_start3A] : memref<10112x128xf32, #tpu.memory_space<vmem_shared>> -> memref<128x128xf32, #tpu.memory_space<vmem_shared>>
      %dma_start3A_43 = arith.constant 0 : i32
      %dma_start3A_44 = tpu.memref_slice %arg9[%add3A_13, %dma_start3A_43] : memref<10112x128xf32, #tpu.memory_space<vmem_shared>> -> memref<128x128xf32, #tpu.memory_space<vmem_shared>>
      tpu.enqueue_dma source(%arg8 : memref<128x128xf32, #tpu.memory_space<vmem>>) target(%dma_start3A_44 : memref<128x128xf32, #tpu.memory_space<vmem_shared>>) target_semaphore(%run_scoped3A : memref<!tpu.dma_semaphore, #tpu.memory_space<semaphore_mem>>)
      %dma_wait3A = arith.constant 0 : i32
      %dma_wait3A_45 = tpu.memref_slice %arg9[%add3A_13, %dma_wait3A] : memref<10112x128xf32, #tpu.memory_space<vmem_shared>> -> memref<128x128xf32, #tpu.memory_space<vmem_shared>>
      %dma_wait3A_46 = arith.constant 0 : i32
      %dma_wait3A_47 = tpu.memref_slice %arg9[%add3A_13, %dma_wait3A_46] : memref<10112x128xf32, #tpu.memory_space<vmem_shared>> -> memref<128x128xf32, #tpu.memory_space<vmem_shared>>
      tpu.wait_dma2 semaphore(%run_scoped3A : memref<!tpu.dma_semaphore, #tpu.memory_space<semaphore_mem>>) src(%arg8 : memref<128x128xf32, #tpu.memory_space<vmem>>) dst(%dma_wait3A_47 : memref<128x128xf32, #tpu.memory_space<vmem_shared>>)
      tpu.yield
    }) : () -> ()
    %mul3A_14 = arith.constant 632 : i32
    %mul3A_15 = arith.muli %arg1, %mul3A_14 : i32
    %add3A_16 = arith.constant 256 : i32
    %add3A_17 = arith.addi %mul3A_15, %add3A_16 : i32
    "tpu.region"() ({
      %run_scoped3A = tpu.sem_alloc : memref<!tpu.dma_semaphore, #tpu.memory_space<semaphore_mem>>
      %dma_start3A = arith.constant 0 : i32
      %dma_start3A_42 = tpu.memref_slice %arg9[%add3A_17, %dma_start3A] : memref<10112x128xf32, #tpu.memory_space<vmem_shared>> -> memref<128x128xf32, #tpu.memory_space<vmem_shared>>
      %dma_start3A_43 = arith.constant 0 : i32
      %dma_start3A_44 = tpu.memref_slice %arg9[%add3A_17, %dma_start3A_43] : memref<10112x128xf32, #tpu.memory_space<vmem_shared>> -> memref<128x128xf32, #tpu.memory_space<vmem_shared>>
      tpu.enqueue_dma source(%arg8 : memref<128x128xf32, #tpu.memory_space<vmem>>) target(%dma_start3A_44 : memref<128x128xf32, #tpu.memory_space<vmem_shared>>) target_semaphore(%run_scoped3A : memref<!tpu.dma_semaphore, #tpu.memory_space<semaphore_mem>>)
      %dma_wait3A = arith.constant 0 : i32
      %dma_wait3A_45 = tpu.memref_slice %arg9[%add3A_17, %dma_wait3A] : memref<10112x128xf32, #tpu.memory_space<vmem_shared>> -> memref<128x128xf32, #tpu.memory_space<vmem_shared>>
      %dma_wait3A_46 = arith.constant 0 : i32
      %dma_wait3A_47 = tpu.memref_slice %arg9[%add3A_17, %dma_wait3A_46] : memref<10112x128xf32, #tpu.memory_space<vmem_shared>> -> memref<128x128xf32, #tpu.memory_space<vmem_shared>>
      tpu.wait_dma2 semaphore(%run_scoped3A : memref<!tpu.dma_semaphore, #tpu.memory_space<semaphore_mem>>) src(%arg8 : memref<128x128xf32, #tpu.memory_space<vmem>>) dst(%dma_wait3A_47 : memref<128x128xf32, #tpu.memory_space<vmem_shared>>)
      tpu.yield
    }) : () -> ()
    %mul3A_18 = arith.constant 632 : i32
    %mul3A_19 = arith.muli %arg1, %mul3A_18 : i32
    %add3A_20 = arith.constant 384 : i32
    %add3A_21 = arith.addi %mul3A_19, %add3A_20 : i32
    "tpu.region"() ({
      %run_scoped3A = tpu.sem_alloc : memref<!tpu.dma_semaphore, #tpu.memory_space<semaphore_mem>>
      %dma_start3A = arith.constant 0 : i32
      %dma_start3A_42 = tpu.memref_slice %arg9[%add3A_21, %dma_start3A] : memref<10112x128xf32, #tpu.memory_space<vmem_shared>> -> memref<128x128xf32, #tpu.memory_space<vmem_shared>>
      %dma_start3A_43 = arith.constant 0 : i32
      %dma_start3A_44 = tpu.memref_slice %arg9[%add3A_21, %dma_start3A_43] : memref<10112x128xf32, #tpu.memory_space<vmem_shared>> -> memref<128x128xf32, #tpu.memory_space<vmem_shared>>
      tpu.enqueue_dma source(%arg8 : memref<128x128xf32, #tpu.memory_space<vmem>>) target(%dma_start3A_44 : memref<128x128xf32, #tpu.memory_space<vmem_shared>>) target_semaphore(%run_scoped3A : memref<!tpu.dma_semaphore, #tpu.memory_space<semaphore_mem>>)
      %dma_wait3A = arith.constant 0 : i32
      %dma_wait3A_45 = tpu.memref_slice %arg9[%add3A_21, %dma_wait3A] : memref<10112x128xf32, #tpu.memory_space<vmem_shared>> -> memref<128x128xf32, #tpu.memory_space<vmem_shared>>
      %dma_wait3A_46 = arith.constant 0 : i32
      %dma_wait3A_47 = tpu.memref_slice %arg9[%add3A_21, %dma_wait3A_46] : memref<10112x128xf32, #tpu.memory_space<vmem_shared>> -> memref<128x128xf32, #tpu.memory_space<vmem_shared>>
      tpu.wait_dma2 semaphore(%run_scoped3A : memref<!tpu.dma_semaphore, #tpu.memory_space<semaphore_mem>>) src(%arg8 : memref<128x128xf32, #tpu.memory_space<vmem>>) dst(%dma_wait3A_47 : memref<128x128xf32, #tpu.memory_space<vmem_shared>>)
      tpu.yield
    }) : () -> ()
    %mul3A_22 = arith.constant 632 : i32
    %mul3A_23 = arith.muli %arg1, %mul3A_22 : i32
    %add3A_24 = arith.constant 512 : i32
    %add3A_25 = arith.addi %mul3A_23, %add3A_24 : i32
    "tpu.region"() ({
      %run_scoped3A = tpu.sem_alloc : memref<!tpu.dma_semaphore, #tpu.memory_space<semaphore_mem>>
      %dma_start3A = arith.constant 0 : i32
      %dma_start3A_42 = arith.constant 0 : i32
      %dma_start3A_43 = tpu.memref_slice %arg8[%dma_start3A, %dma_start3A_42] : memref<128x128xf32, #tpu.memory_space<vmem>> -> memref<120x128xf32, #tpu.memory_space<vmem>>
      %dma_start3A_44 = arith.constant 0 : i32
      %dma_start3A_45 = tpu.memref_slice %arg9[%add3A_25, %dma_start3A_44] : memref<10112x128xf32, #tpu.memory_space<vmem_shared>> -> memref<120x128xf32, #tpu.memory_space<vmem_shared>>
      %dma_start3A_46 = arith.constant 0 : i32
      %dma_start3A_47 = tpu.memref_slice %arg9[%add3A_25, %dma_start3A_46] : memref<10112x128xf32, #tpu.memory_space<vmem_shared>> -> memref<120x128xf32, #tpu.memory_space<vmem_shared>>
      %dma_start3A_48 = arith.constant 0 : i32
      %dma_start3A_49 = arith.constant 0 : i32
      %dma_start3A_50 = tpu.memref_slice %arg8[%dma_start3A_48, %dma_start3A_49] : memref<128x128xf32, #tpu.memory_space<vmem>> -> memref<120x128xf32, #tpu.memory_space<vmem>>
      tpu.enqueue_dma source(%dma_start3A_50 : memref<120x128xf32, #tpu.memory_space<vmem>>) target(%dma_start3A_47 : memref<120x128xf32, #tpu.memory_space<vmem_shared>>) target_semaphore(%run_scoped3A : memref<!tpu.dma_semaphore, #tpu.memory_space<semaphore_mem>>)
      %dma_wait3A = arith.constant 0 : i32
      %dma_wait3A_51 = arith.constant 0 : i32
      %dma_wait3A_52 = tpu.memref_slice %arg8[%dma_wait3A, %dma_wait3A_51] : memref<128x128xf32, #tpu.memory_space<vmem>> -> memref<120x128xf32, #tpu.memory_space<vmem>>
      %dma_wait3A_53 = arith.constant 0 : i32
      %dma_wait3A_54 = tpu.memref_slice %arg9[%add3A_25, %dma_wait3A_53] : memref<10112x128xf32, #tpu.memory_space<vmem_shared>> -> memref<120x128xf32, #tpu.memory_space<vmem_shared>>
      %dma_wait3A_55 = arith.constant 0 : i32
      %dma_wait3A_56 = tpu.memref_slice %arg9[%add3A_25, %dma_wait3A_55] : memref<10112x128xf32, #tpu.memory_space<vmem_shared>> -> memref<120x128xf32, #tpu.memory_space<vmem_shared>>
      %dma_wait3A_57 = arith.constant 0 : i32
      %dma_wait3A_58 = arith.constant 0 : i32
      %dma_wait3A_59 = tpu.memref_slice %arg8[%dma_wait3A_57, %dma_wait3A_58] : memref<128x128xf32, #tpu.memory_space<vmem>> -> memref<120x128xf32, #tpu.memory_space<vmem>>
      tpu.wait_dma2 semaphore(%run_scoped3A : memref<!tpu.dma_semaphore, #tpu.memory_space<semaphore_mem>>) src(%dma_wait3A_59 : memref<120x128xf32, #tpu.memory_space<vmem>>) dst(%dma_wait3A_56 : memref<120x128xf32, #tpu.memory_space<vmem_shared>>)
      tpu.yield
    }) : () -> ()
    %barrier3A = arith.constant 0 : index
    tpu.barrier barrier_id(%barrier3A)
    %eq3A = arith.constant 0 : i32
    %eq3A_26 = arith.cmpi eq, %arg0, %eq3A : i32
    %jit3A = arith.constant 118 : i32
    %jit3A_27 = arith.constant 40 : i32
    %select_n3A = arith.select %eq3A_26, %jit3A, %jit3A_27 : i32
    %while3A = arith.constant 0 : i32
    %while3A_28 = arith.constant 0 : i32
    %while3A_29 = arith.subi %select_n3A, %while3A_28 : i32
    %while3A_30 = arith.addi %while3A_28, %while3A_29 : i32
    %while3A_31 = arith.constant 1 : i32
    %while3A_32 = arith.divsi %while3A_29, %while3A_31 : i32
    %while3A_33 = arith.muli %while3A_32, %while3A_31 : i32
    %while3A_34 = arith.addi %while3A_28, %while3A_33 : i32
    %while3A_35 = arith.constant 1 : i32
    scf.for %while3A_42 = %while3A_28 to %while3A_34 step %while3A_35  : i32 {
      "tpu.region"() ({
        %run_scoped3A = tpu.sem_alloc : memref<!tpu.dma_semaphore, #tpu.memory_space<semaphore_mem>>
        %dma_start3A = arith.constant 0 : i32
        %dma_start3A_43 = tpu.memref_slice %arg6[%while3A_42, %dma_start3A] : memref<118x128xi32, #tpu.memory_space<vmem>> -> memref<1x128xi32, #tpu.memory_space<vmem>>
        %dma_start3A_44 = tpu.memref_squeeze %dma_start3A_43 : memref<1x128xi32, #tpu.memory_space<vmem>> -> memref<128xi32, #tpu.memory_space<vmem>>
        %dma_start3A_45 = arith.constant 0 : i32
        %dma_start3A_46 = arith.constant 0 : i32
        %dma_start3A_47 = tpu.memref_slice %arg2[%dma_start3A_45, %dma_start3A_46] : memref<10112x128xf32, #tpu.memory_space<hbm>> -> memref<10112x128xf32, #tpu.memory_space<hbm>>
        tpu.enqueue_indirect_dma source(%dma_start3A_47 : memref<10112x128xf32, #tpu.memory_space<hbm>>) target(%arg8 : memref<128x128xf32, #tpu.memory_space<vmem>>) offsets(%dma_start3A_44 : memref<128xi32, #tpu.memory_space<vmem>>) semaphore(%run_scoped3A : memref<!tpu.dma_semaphore, #tpu.memory_space<semaphore_mem>>)
        %dma_wait3A = arith.constant 0 : i32
        %dma_wait3A_48 = tpu.memref_slice %arg6[%while3A_42, %dma_wait3A] : memref<118x128xi32, #tpu.memory_space<vmem>> -> memref<1x128xi32, #tpu.memory_space<vmem>>
        %dma_wait3A_49 = tpu.memref_squeeze %dma_wait3A_48 : memref<1x128xi32, #tpu.memory_space<vmem>> -> memref<128xi32, #tpu.memory_space<vmem>>
        %dma_wait3A_50 = arith.constant 0 : i32
        %dma_wait3A_51 = arith.constant 0 : i32
        %dma_wait3A_52 = tpu.memref_slice %arg2[%dma_wait3A_50, %dma_wait3A_51] : memref<10112x128xf32, #tpu.memory_space<hbm>> -> memref<10112x128xf32, #tpu.memory_space<hbm>>
        tpu.wait_indirect_dma semaphore(%run_scoped3A : memref<!tpu.dma_semaphore, #tpu.memory_space<semaphore_mem>>) src(%dma_wait3A_52 : memref<10112x128xf32, #tpu.memory_space<hbm>>) dst(%arg8 : memref<128x128xf32, #tpu.memory_space<vmem>>)
        tpu.yield
      }) : () -> ()
      "tpu.region"() ({
        %run_scoped3A = tpu.sem_alloc : memref<!tpu.dma_semaphore, #tpu.memory_space<semaphore_mem>>
        %dma_start3A = arith.constant 0 : i32
        %dma_start3A_43 = tpu.memref_slice %arg7[%while3A_42, %dma_start3A] : memref<118x128xi32, #tpu.memory_space<vmem>> -> memref<1x128xi32, #tpu.memory_space<vmem>>
        %dma_start3A_44 = tpu.memref_squeeze %dma_start3A_43 : memref<1x128xi32, #tpu.memory_space<vmem>> -> memref<128xi32, #tpu.memory_space<vmem>>
        %dma_start3A_45 = arith.constant 0 : i32
        %dma_start3A_46 = arith.constant 0 : i32
        %dma_start3A_47 = tpu.memref_slice %arg9[%dma_start3A_45, %dma_start3A_46] : memref<10112x128xf32, #tpu.memory_space<vmem_shared>> -> memref<10112x128xf32, #tpu.memory_space<vmem_shared>>
        tpu.enqueue_indirect_dma source(%arg8 : memref<128x128xf32, #tpu.memory_space<vmem>>) target(%dma_start3A_47 : memref<10112x128xf32, #tpu.memory_space<vmem_shared>>) offsets(%dma_start3A_44 : memref<128xi32, #tpu.memory_space<vmem>>) semaphore(%run_scoped3A : memref<!tpu.dma_semaphore, #tpu.memory_space<semaphore_mem>>) {add = true}
        %dma_wait3A = arith.constant 0 : i32
        %dma_wait3A_48 = tpu.memref_slice %arg7[%while3A_42, %dma_wait3A] : memref<118x128xi32, #tpu.memory_space<vmem>> -> memref<1x128xi32, #tpu.memory_space<vmem>>
        %dma_wait3A_49 = tpu.memref_squeeze %dma_wait3A_48 : memref<1x128xi32, #tpu.memory_space<vmem>> -> memref<128xi32, #tpu.memory_space<vmem>>
        %dma_wait3A_50 = arith.constant 0 : i32
        %dma_wait3A_51 = arith.constant 0 : i32
        %dma_wait3A_52 = tpu.memref_slice %arg9[%dma_wait3A_50, %dma_wait3A_51] : memref<10112x128xf32, #tpu.memory_space<vmem_shared>> -> memref<10112x128xf32, #tpu.memory_space<vmem_shared>>
        tpu.wait_indirect_dma semaphore(%run_scoped3A : memref<!tpu.dma_semaphore, #tpu.memory_space<semaphore_mem>>) src(%arg8 : memref<128x128xf32, #tpu.memory_space<vmem>>) dst(%dma_wait3A_52 : memref<10112x128xf32, #tpu.memory_space<vmem_shared>>)
        tpu.yield
      }) : () -> ()
    }
    %while3A_36 = arith.constant 1 : i32
    scf.for %while3A_42 = %while3A_34 to %while3A_30 step %while3A_36  : i32 {
      "tpu.region"() ({
        %run_scoped3A = tpu.sem_alloc : memref<!tpu.dma_semaphore, #tpu.memory_space<semaphore_mem>>
        %dma_start3A = arith.constant 0 : i32
        %dma_start3A_43 = tpu.memref_slice %arg6[%while3A_42, %dma_start3A] : memref<118x128xi32, #tpu.memory_space<vmem>> -> memref<1x128xi32, #tpu.memory_space<vmem>>
        %dma_start3A_44 = tpu.memref_squeeze %dma_start3A_43 : memref<1x128xi32, #tpu.memory_space<vmem>> -> memref<128xi32, #tpu.memory_space<vmem>>
        %dma_start3A_45 = arith.constant 0 : i32
        %dma_start3A_46 = arith.constant 0 : i32
        %dma_start3A_47 = tpu.memref_slice %arg2[%dma_start3A_45, %dma_start3A_46] : memref<10112x128xf32, #tpu.memory_space<hbm>> -> memref<10112x128xf32, #tpu.memory_space<hbm>>
        tpu.enqueue_indirect_dma source(%dma_start3A_47 : memref<10112x128xf32, #tpu.memory_space<hbm>>) target(%arg8 : memref<128x128xf32, #tpu.memory_space<vmem>>) offsets(%dma_start3A_44 : memref<128xi32, #tpu.memory_space<vmem>>) semaphore(%run_scoped3A : memref<!tpu.dma_semaphore, #tpu.memory_space<semaphore_mem>>)
        %dma_wait3A = arith.constant 0 : i32
        %dma_wait3A_48 = tpu.memref_slice %arg6[%while3A_42, %dma_wait3A] : memref<118x128xi32, #tpu.memory_space<vmem>> -> memref<1x128xi32, #tpu.memory_space<vmem>>
        %dma_wait3A_49 = tpu.memref_squeeze %dma_wait3A_48 : memref<1x128xi32, #tpu.memory_space<vmem>> -> memref<128xi32, #tpu.memory_space<vmem>>
        %dma_wait3A_50 = arith.constant 0 : i32
        %dma_wait3A_51 = arith.constant 0 : i32
        %dma_wait3A_52 = tpu.memref_slice %arg2[%dma_wait3A_50, %dma_wait3A_51] : memref<10112x128xf32, #tpu.memory_space<hbm>> -> memref<10112x128xf32, #tpu.memory_space<hbm>>
        tpu.wait_indirect_dma semaphore(%run_scoped3A : memref<!tpu.dma_semaphore, #tpu.memory_space<semaphore_mem>>) src(%dma_wait3A_52 : memref<10112x128xf32, #tpu.memory_space<hbm>>) dst(%arg8 : memref<128x128xf32, #tpu.memory_space<vmem>>)
        tpu.yield
      }) : () -> ()
      "tpu.region"() ({
        %run_scoped3A = tpu.sem_alloc : memref<!tpu.dma_semaphore, #tpu.memory_space<semaphore_mem>>
        %dma_start3A = arith.constant 0 : i32
        %dma_start3A_43 = tpu.memref_slice %arg7[%while3A_42, %dma_start3A] : memref<118x128xi32, #tpu.memory_space<vmem>> -> memref<1x128xi32, #tpu.memory_space<vmem>>
        %dma_start3A_44 = tpu.memref_squeeze %dma_start3A_43 : memref<1x128xi32, #tpu.memory_space<vmem>> -> memref<128xi32, #tpu.memory_space<vmem>>
        %dma_start3A_45 = arith.constant 0 : i32
        %dma_start3A_46 = arith.constant 0 : i32
        %dma_start3A_47 = tpu.memref_slice %arg9[%dma_start3A_45, %dma_start3A_46] : memref<10112x128xf32, #tpu.memory_space<vmem_shared>> -> memref<10112x128xf32, #tpu.memory_space<vmem_shared>>
        tpu.enqueue_indirect_dma source(%arg8 : memref<128x128xf32, #tpu.memory_space<vmem>>) target(%dma_start3A_47 : memref<10112x128xf32, #tpu.memory_space<vmem_shared>>) offsets(%dma_start3A_44 : memref<128xi32, #tpu.memory_space<vmem>>) semaphore(%run_scoped3A : memref<!tpu.dma_semaphore, #tpu.memory_space<semaphore_mem>>) {add = true}
        %dma_wait3A = arith.constant 0 : i32
        %dma_wait3A_48 = tpu.memref_slice %arg7[%while3A_42, %dma_wait3A] : memref<118x128xi32, #tpu.memory_space<vmem>> -> memref<1x128xi32, #tpu.memory_space<vmem>>
        %dma_wait3A_49 = tpu.memref_squeeze %dma_wait3A_48 : memref<1x128xi32, #tpu.memory_space<vmem>> -> memref<128xi32, #tpu.memory_space<vmem>>
        %dma_wait3A_50 = arith.constant 0 : i32
        %dma_wait3A_51 = arith.constant 0 : i32
        %dma_wait3A_52 = tpu.memref_slice %arg9[%dma_wait3A_50, %dma_wait3A_51] : memref<10112x128xf32, #tpu.memory_space<vmem_shared>> -> memref<10112x128xf32, #tpu.memory_space<vmem_shared>>
        tpu.wait_indirect_dma semaphore(%run_scoped3A : memref<!tpu.dma_semaphore, #tpu.memory_space<semaphore_mem>>) src(%arg8 : memref<128x128xf32, #tpu.memory_space<vmem>>) dst(%dma_wait3A_52 : memref<10112x128xf32, #tpu.memory_space<vmem_shared>>)
        tpu.yield
      }) : () -> ()
    }
    %barrier3A_37 = arith.constant 0 : index
    tpu.barrier barrier_id(%barrier3A_37)
    %mul3A_38 = arith.constant 632 : i32
    %mul3A_39 = arith.muli %arg1, %mul3A_38 : i32
    %mul3A_40 = arith.constant 632 : i32
    %mul3A_41 = arith.muli %arg1, %mul3A_40 : i32
    "tpu.region"() ({
      %run_scoped3A = tpu.sem_alloc : memref<!tpu.dma_semaphore, #tpu.memory_space<semaphore_mem>>
      %dma_start3A = arith.constant 0 : i32
      %dma_start3A_42 = tpu.memref_slice %arg5[%arg0, %mul3A_41, %dma_start3A] : memref<2x10112x128xf32, #tpu.memory_space<hbm>> -> memref<1x632x128xf32, #tpu.memory_space<hbm>>
      %dma_start3A_43 = tpu.memref_squeeze %dma_start3A_42 : memref<1x632x128xf32, #tpu.memory_space<hbm>> -> memref<632x128xf32, #tpu.memory_space<hbm>>
      %dma_start3A_44 = arith.constant 0 : i32
      %dma_start3A_45 = tpu.memref_slice %arg9[%mul3A_39, %dma_start3A_44] : memref<10112x128xf32, #tpu.memory_space<vmem_shared>> -> memref<632x128xf32, #tpu.memory_space<vmem_shared>>
      tpu.enqueue_dma source(%dma_start3A_45 : memref<632x128xf32, #tpu.memory_space<vmem_shared>>) target(%dma_start3A_43 : memref<632x128xf32, #tpu.memory_space<hbm>>) target_semaphore(%run_scoped3A : memref<!tpu.dma_semaphore, #tpu.memory_space<semaphore_mem>>)
      %dma_wait3A = arith.constant 0 : i32
      %dma_wait3A_46 = tpu.memref_slice %arg5[%arg0, %mul3A_41, %dma_wait3A] : memref<2x10112x128xf32, #tpu.memory_space<hbm>> -> memref<1x632x128xf32, #tpu.memory_space<hbm>>
      %dma_wait3A_47 = tpu.memref_squeeze %dma_wait3A_46 : memref<1x632x128xf32, #tpu.memory_space<hbm>> -> memref<632x128xf32, #tpu.memory_space<hbm>>
      %dma_wait3A_48 = arith.constant 0 : i32
      %dma_wait3A_49 = tpu.memref_slice %arg9[%mul3A_39, %dma_wait3A_48] : memref<10112x128xf32, #tpu.memory_space<vmem_shared>> -> memref<632x128xf32, #tpu.memory_space<vmem_shared>>
      tpu.wait_dma2 semaphore(%run_scoped3A : memref<!tpu.dma_semaphore, #tpu.memory_space<semaphore_mem>>) src(%dma_wait3A_49 : memref<632x128xf32, #tpu.memory_space<vmem_shared>>) dst(%dma_wait3A_47 : memref<632x128xf32, #tpu.memory_space<hbm>>)
      tpu.yield
    }) : () -> ()
    return
  }
}

module attributes {stable_mosaic.version = 14 : i64} {
  func.func @body(%arg0: i32, %arg1: memref<632x128xf32, #tpu.memory_space<vmem>>, %arg2: memref<128x128xf32, #tpu.memory_space<vmem>>, %arg3: memref<2x632x1xf32, #tpu.memory_space<vmem>>, %arg4: memref<632x128xf32, #tpu.memory_space<vmem>>, %arg5: memref<632x128xf32, #tpu.memory_space<vmem>>, %arg6: memref<632x1xf32, #tpu.memory_space<vmem>>, %arg7: memref<632x1xf32, #tpu.memory_space<vmem>>) attributes {dimension_semantics = [#tpu.dimension_semantics<arbitrary>], iteration_bounds = array<i64: 16>, scalar_prefetch = 0 : i64, scratch_operands = 0 : i64, tpu.core_type = #tpu.core_type<tc>, window_params = [{transform_indices = @transform_0, window_bounds = array<i64: 632, 128>}, {pipeline_mode = #tpu.pipeline_mode<synchronous>, transform_indices = @transform_1, window_bounds = array<i64: 128, 128>}, {transform_indices = @transform_2, window_bounds = array<i64: 2, 632, 1>}, {transform_indices = @transform_3, window_bounds = array<i64: 632, 128>}, {transform_indices = @transform_4, window_bounds = array<i64: 632, 128>}, {transform_indices = @transform_5, window_bounds = array<i64: 632, 1>}, {transform_indices = @transform_6, window_bounds = array<i64: 632, 1>}]} {
    %get3A = arith.constant 0 : index
    %get3A_0 = arith.constant 0 : index
    %get3A_1 = arith.constant 0 : index
    %get3A_2 = vector.load %arg3[%get3A, %get3A_0, %get3A_1] : memref<2x632x1xf32, #tpu.memory_space<vmem>>, vector<1x632x1xf32>
    %get3A_3 = vector.shape_cast %get3A_2 : vector<1x632x1xf32> to vector<632x1xf32>
    %get3A_4 = arith.constant 1 : index
    %get3A_5 = arith.constant 0 : index
    %get3A_6 = arith.constant 0 : index
    %get3A_7 = vector.load %arg3[%get3A_4, %get3A_5, %get3A_6] : memref<2x632x1xf32, #tpu.memory_space<vmem>>, vector<1x632x1xf32>
    %get3A_8 = vector.shape_cast %get3A_7 : vector<1x632x1xf32> to vector<632x1xf32>
    %add3A = arith.addf %get3A_3, %get3A_8 : vector<632x1xf32>
    %add3A_9 = arith.constant 1.000000e+00 : f32
    %add3A_10 = vector.broadcast %add3A_9 : f32 to vector<632x1xf32>
    %add3A_11 = arith.addf %add3A, %add3A_10 : vector<632x1xf32>
    %rsqrt3A = math.rsqrt %add3A_11 : vector<632x1xf32>
    %div3A = arith.constant 1.000000e+00 : f32
    %div3A_12 = vector.broadcast %div3A : f32 to vector<632x1xf32>
    %div3A_13 = arith.divf %div3A_12, %add3A_11 : vector<632x1xf32>
    %get3A_14 = arith.constant 0 : index
    %get3A_15 = arith.constant 0 : index
    %get3A_16 = vector.load %arg1[%get3A_14, %get3A_15] : memref<632x128xf32, #tpu.memory_space<vmem>>, vector<632x128xf32>
    %get3A_17 = arith.constant 0 : index
    %get3A_18 = arith.constant 0 : index
    %get3A_19 = vector.load %arg2[%get3A_17, %get3A_18] : memref<128x128xf32, #tpu.memory_space<vmem>>, vector<128x128xf32>
    %dot_general3A = arith.constant dense<0.000000e+00> : vector<632x128xf32>
    %dot_general3A_20 = tpu.matmul %get3A_16, %get3A_19, %dot_general3A {dimension_numbers = #tpu.dot_dimension_numbers<[1], [0], [0], [1], [0, 0, 1, 1], [], []>, transpose_lhs_hint = false} : vector<632x128xf32>, vector<128x128xf32>, vector<632x128xf32> -> vector<632x128xf32>
    %swap3A = arith.constant 0 : index
    %swap3A_21 = arith.constant 0 : index
    %swap3A_22 = vector.load %arg4[%swap3A, %swap3A_21] : memref<632x128xf32, #tpu.memory_space<vmem>>, vector<632x128xf32>
    tpu.vector_store %arg4[%swap3A, %swap3A_21], %dot_general3A_20 {strides = array<i32>} : memref<632x128xf32, #tpu.memory_space<vmem>>, vector<632x128xf32>,
    %mul3A = vector.broadcast %rsqrt3A : vector<632x1xf32> to vector<632x128xf32>
    %mul3A_23 = arith.mulf %dot_general3A_20, %mul3A : vector<632x128xf32>
    %swap3A_24 = arith.constant 0 : index
    %swap3A_25 = arith.constant 0 : index
    %swap3A_26 = vector.load %arg5[%swap3A_24, %swap3A_25] : memref<632x128xf32, #tpu.memory_space<vmem>>, vector<632x128xf32>
    tpu.vector_store %arg5[%swap3A_24, %swap3A_25], %mul3A_23 {strides = array<i32>} : memref<632x128xf32, #tpu.memory_space<vmem>>, vector<632x128xf32>,
    %swap3A_27 = arith.constant 0 : index
    %swap3A_28 = arith.constant 0 : index
    %swap3A_29 = vector.load %arg6[%swap3A_27, %swap3A_28] : memref<632x1xf32, #tpu.memory_space<vmem>>, vector<632x1xf32>
    tpu.vector_store %arg6[%swap3A_27, %swap3A_28], %rsqrt3A {strides = array<i32>} : memref<632x1xf32, #tpu.memory_space<vmem>>, vector<632x1xf32>,
    %swap3A_30 = arith.constant 0 : index
    %swap3A_31 = arith.constant 0 : index
    %swap3A_32 = vector.load %arg7[%swap3A_30, %swap3A_31] : memref<632x1xf32, #tpu.memory_space<vmem>>, vector<632x1xf32>
    tpu.vector_store %arg7[%swap3A_30, %swap3A_31], %div3A_13 {strides = array<i32>} : memref<632x1xf32, #tpu.memory_space<vmem>>, vector<632x1xf32>,
    return
  }
  func.func @transform_0(%arg0: i32) -> (i32, i32) {
    %c0_i32 = arith.constant 0 : i32
    %c0_i32_0 = arith.constant 0 : i32
    return %arg0, %c0_i32 : i32, i32
  }
  func.func @transform_1(%arg0: i32) -> (i32, i32) {
    %c0_i32 = arith.constant 0 : i32
    %c0_i32_0 = arith.constant 0 : i32
    %c0_i32_1 = arith.constant 0 : i32
    return %c0_i32, %c0_i32_0 : i32, i32
  }
  func.func @transform_2(%arg0: i32) -> (i32, i32, i32) {
    %c0_i32 = arith.constant 0 : i32
    %c0_i32_0 = arith.constant 0 : i32
    %c0_i32_1 = arith.constant 0 : i32
    return %c0_i32, %arg0, %c0_i32_0 : i32, i32, i32
  }
  func.func @transform_3(%arg0: i32) -> (i32, i32) {
    %c0_i32 = arith.constant 0 : i32
    %c0_i32_0 = arith.constant 0 : i32
    return %arg0, %c0_i32 : i32, i32
  }
  func.func @transform_4(%arg0: i32) -> (i32, i32) {
    %c0_i32 = arith.constant 0 : i32
    %c0_i32_0 = arith.constant 0 : i32
    return %arg0, %c0_i32 : i32, i32
  }
  func.func @transform_5(%arg0: i32) -> (i32, i32) {
    %c0_i32 = arith.constant 0 : i32
    %c0_i32_0 = arith.constant 0 : i32
    return %arg0, %c0_i32 : i32, i32
  }
  func.func @transform_6(%arg0: i32) -> (i32, i32) {
    %c0_i32 = arith.constant 0 : i32
    %c0_i32_0 = arith.constant 0 : i32
    return %arg0, %c0_i32 : i32, i32
  }
}

module attributes {stable_mosaic.version = 14 : i64} {
  func.func @body(%arg0: i32, %arg1: memref<2x632x128xf32, #tpu.memory_space<vmem>>, %arg2: memref<632x128xf32, #tpu.memory_space<vmem>>, %arg3: memref<632x1xf32, #tpu.memory_space<vmem>>, %arg4: memref<632x1xf32, #tpu.memory_space<vmem>>, %arg5: memref<1x128xf32, #tpu.memory_space<vmem>>, %arg6: memref<128x128xf32, #tpu.memory_space<vmem>>, %arg7: memref<632x128xf32, #tpu.memory_space<vmem>>, %arg8: memref<632x128xf32, #tpu.memory_space<vmem>>) attributes {dimension_semantics = [#tpu.dimension_semantics<arbitrary>], iteration_bounds = array<i64: 16>, scalar_prefetch = 0 : i64, scratch_operands = 0 : i64, tpu.core_type = #tpu.core_type<tc>, window_params = [{transform_indices = @transform_0, window_bounds = array<i64: 2, 632, 128>}, {transform_indices = @transform_1, window_bounds = array<i64: 632, 128>}, {transform_indices = @transform_2, window_bounds = array<i64: 632, 1>}, {transform_indices = @transform_3, window_bounds = array<i64: 632, 1>}, {pipeline_mode = #tpu.pipeline_mode<synchronous>, transform_indices = @transform_4, window_bounds = array<i64: 1, 128>}, {pipeline_mode = #tpu.pipeline_mode<synchronous>, transform_indices = @transform_5, window_bounds = array<i64: 128, 128>}, {transform_indices = @transform_6, window_bounds = array<i64: 632, 128>}, {transform_indices = @transform_7, window_bounds = array<i64: 632, 128>}]} {
    %get3A = arith.constant 0 : index
    %get3A_0 = arith.constant 0 : index
    %get3A_1 = vector.load %arg3[%get3A, %get3A_0] : memref<632x1xf32, #tpu.memory_space<vmem>>, vector<632x1xf32>
    %get3A_2 = arith.constant 0 : index
    %get3A_3 = arith.constant 0 : index
    %get3A_4 = arith.constant 0 : index
    %get3A_5 = vector.load %arg1[%get3A_2, %get3A_3, %get3A_4] : memref<2x632x128xf32, #tpu.memory_space<vmem>>, vector<1x632x128xf32>
    %get3A_6 = vector.shape_cast %get3A_5 : vector<1x632x128xf32> to vector<632x128xf32>
    %get3A_7 = arith.constant 1 : index
    %get3A_8 = arith.constant 0 : index
    %get3A_9 = arith.constant 0 : index
    %get3A_10 = vector.load %arg1[%get3A_7, %get3A_8, %get3A_9] : memref<2x632x128xf32, #tpu.memory_space<vmem>>, vector<1x632x128xf32>
    %get3A_11 = vector.shape_cast %get3A_10 : vector<1x632x128xf32> to vector<632x128xf32>
    %add3A = arith.addf %get3A_6, %get3A_11 : vector<632x128xf32>
    %mul3A = vector.broadcast %get3A_1 : vector<632x1xf32> to vector<632x128xf32>
    %mul3A_12 = arith.mulf %mul3A, %add3A : vector<632x128xf32>
    %get3A_13 = arith.constant 0 : index
    %get3A_14 = arith.constant 0 : index
    %get3A_15 = vector.load %arg2[%get3A_13, %get3A_14] : memref<632x128xf32, #tpu.memory_space<vmem>>, vector<632x128xf32>
    %get3A_16 = arith.constant 0 : index
    %get3A_17 = arith.constant 0 : index
    %get3A_18 = vector.load %arg4[%get3A_16, %get3A_17] : memref<632x1xf32, #tpu.memory_space<vmem>>, vector<632x1xf32>
    %mul3A_19 = vector.broadcast %get3A_18 : vector<632x1xf32> to vector<632x128xf32>
    %mul3A_20 = arith.mulf %get3A_15, %mul3A_19 : vector<632x128xf32>
    %add3A_21 = arith.addf %mul3A_12, %mul3A_20 : vector<632x128xf32>
    %get3A_22 = arith.constant 0 : index
    %get3A_23 = arith.constant 0 : index
    %get3A_24 = vector.load %arg5[%get3A_22, %get3A_23] : memref<1x128xf32, #tpu.memory_space<vmem>>, vector<1x128xf32>
    %add3A_25 = vector.broadcast %get3A_24 : vector<1x128xf32> to vector<632x128xf32>
    %add3A_26 = arith.addf %add3A_21, %add3A_25 : vector<632x128xf32>
    %max3A = arith.constant 0.000000e+00 : f32
    %max3A_27 = vector.broadcast %max3A : f32 to vector<632x128xf32>
    %max3A_28 = arith.maximumf %add3A_26, %max3A_27 : vector<632x128xf32>
    %get3A_29 = arith.constant 0 : index
    %get3A_30 = arith.constant 0 : index
    %get3A_31 = vector.load %arg6[%get3A_29, %get3A_30] : memref<128x128xf32, #tpu.memory_space<vmem>>, vector<128x128xf32>
    %dot_general3A = arith.constant dense<0.000000e+00> : vector<632x128xf32>
    %dot_general3A_32 = tpu.matmul %max3A_28, %get3A_31, %dot_general3A {dimension_numbers = #tpu.dot_dimension_numbers<[1], [0], [0], [1], [0, 0, 1, 1], [], []>, transpose_lhs_hint = false} : vector<632x128xf32>, vector<128x128xf32>, vector<632x128xf32> -> vector<632x128xf32>
    %swap3A = arith.constant 0 : index
    %swap3A_33 = arith.constant 0 : index
    %swap3A_34 = vector.load %arg7[%swap3A, %swap3A_33] : memref<632x128xf32, #tpu.memory_space<vmem>>, vector<632x128xf32>
    tpu.vector_store %arg7[%swap3A, %swap3A_33], %dot_general3A_32 {strides = array<i32>} : memref<632x128xf32, #tpu.memory_space<vmem>>, vector<632x128xf32>,
    %get3A_35 = arith.constant 0 : index
    %get3A_36 = arith.constant 0 : index
    %get3A_37 = vector.load %arg3[%get3A_35, %get3A_36] : memref<632x1xf32, #tpu.memory_space<vmem>>, vector<632x1xf32>
    %mul3A_38 = vector.broadcast %get3A_37 : vector<632x1xf32> to vector<632x128xf32>
    %mul3A_39 = arith.mulf %dot_general3A_32, %mul3A_38 : vector<632x128xf32>
    %swap3A_40 = arith.constant 0 : index
    %swap3A_41 = arith.constant 0 : index
    %swap3A_42 = vector.load %arg8[%swap3A_40, %swap3A_41] : memref<632x128xf32, #tpu.memory_space<vmem>>, vector<632x128xf32>
    tpu.vector_store %arg8[%swap3A_40, %swap3A_41], %mul3A_39 {strides = array<i32>} : memref<632x128xf32, #tpu.memory_space<vmem>>, vector<632x128xf32>,
    return
  }
  func.func @transform_0(%arg0: i32) -> (i32, i32, i32) {
    %c0_i32 = arith.constant 0 : i32
    %c0_i32_0 = arith.constant 0 : i32
    %c0_i32_1 = arith.constant 0 : i32
    return %c0_i32, %arg0, %c0_i32_0 : i32, i32, i32
  }
  func.func @transform_1(%arg0: i32) -> (i32, i32) {
    %c0_i32 = arith.constant 0 : i32
    %c0_i32_0 = arith.constant 0 : i32
    return %arg0, %c0_i32 : i32, i32
  }
  func.func @transform_2(%arg0: i32) -> (i32, i32) {
    %c0_i32 = arith.constant 0 : i32
    %c0_i32_0 = arith.constant 0 : i32
    return %arg0, %c0_i32 : i32, i32
  }
  func.func @transform_3(%arg0: i32) -> (i32, i32) {
    %c0_i32 = arith.constant 0 : i32
    %c0_i32_0 = arith.constant 0 : i32
    return %arg0, %c0_i32 : i32, i32
  }
  func.func @transform_4(%arg0: i32) -> (i32, i32) {
    %c0_i32 = arith.constant 0 : i32
    %c0_i32_0 = arith.constant 0 : i32
    %c0_i32_1 = arith.constant 0 : i32
    return %c0_i32, %c0_i32_0 : i32, i32
  }
  func.func @transform_5(%arg0: i32) -> (i32, i32) {
    %c0_i32 = arith.constant 0 : i32
    %c0_i32_0 = arith.constant 0 : i32
    %c0_i32_1 = arith.constant 0 : i32
    return %c0_i32, %c0_i32_0 : i32, i32
  }
  func.func @transform_6(%arg0: i32) -> (i32, i32) {
    %c0_i32 = arith.constant 0 : i32
    %c0_i32_0 = arith.constant 0 : i32
    return %arg0, %c0_i32 : i32, i32
  }
  func.func @transform_7(%arg0: i32) -> (i32, i32) {
    %c0_i32 = arith.constant 0 : i32
    %c0_i32_0 = arith.constant 0 : i32
    return %arg0, %c0_i32 : i32, i32
  }
}

module attributes {stable_mosaic.version = 14 : i64} {
  func.func @body(%arg0: i32, %arg1: memref<2x632x128xf32, #tpu.memory_space<vmem>>, %arg2: memref<632x128xf32, #tpu.memory_space<vmem>>, %arg3: memref<632x1xf32, #tpu.memory_space<vmem>>, %arg4: memref<632x1xf32, #tpu.memory_space<vmem>>, %arg5: memref<1x128xf32, #tpu.memory_space<vmem>>, %arg6: memref<632x128xf32, #tpu.memory_space<vmem>>) attributes {dimension_semantics = [#tpu.dimension_semantics<arbitrary>], iteration_bounds = array<i64: 16>, scalar_prefetch = 0 : i64, scratch_operands = 0 : i64, tpu.core_type = #tpu.core_type<tc>, window_params = [{transform_indices = @transform_0, window_bounds = array<i64: 2, 632, 128>}, {transform_indices = @transform_1, window_bounds = array<i64: 632, 128>}, {transform_indices = @transform_2, window_bounds = array<i64: 632, 1>}, {transform_indices = @transform_3, window_bounds = array<i64: 632, 1>}, {pipeline_mode = #tpu.pipeline_mode<synchronous>, transform_indices = @transform_4, window_bounds = array<i64: 1, 128>}, {transform_indices = @transform_5, window_bounds = array<i64: 632, 128>}]} {
    %get3A = arith.constant 0 : index
    %get3A_0 = arith.constant 0 : index
    %get3A_1 = vector.load %arg3[%get3A, %get3A_0] : memref<632x1xf32, #tpu.memory_space<vmem>>, vector<632x1xf32>
    %get3A_2 = arith.constant 0 : index
    %get3A_3 = arith.constant 0 : index
    %get3A_4 = arith.constant 0 : index
    %get3A_5 = vector.load %arg1[%get3A_2, %get3A_3, %get3A_4] : memref<2x632x128xf32, #tpu.memory_space<vmem>>, vector<1x632x128xf32>
    %get3A_6 = vector.shape_cast %get3A_5 : vector<1x632x128xf32> to vector<632x128xf32>
    %get3A_7 = arith.constant 1 : index
    %get3A_8 = arith.constant 0 : index
    %get3A_9 = arith.constant 0 : index
    %get3A_10 = vector.load %arg1[%get3A_7, %get3A_8, %get3A_9] : memref<2x632x128xf32, #tpu.memory_space<vmem>>, vector<1x632x128xf32>
    %get3A_11 = vector.shape_cast %get3A_10 : vector<1x632x128xf32> to vector<632x128xf32>
    %add3A = arith.addf %get3A_6, %get3A_11 : vector<632x128xf32>
    %mul3A = vector.broadcast %get3A_1 : vector<632x1xf32> to vector<632x128xf32>
    %mul3A_12 = arith.mulf %mul3A, %add3A : vector<632x128xf32>
    %get3A_13 = arith.constant 0 : index
    %get3A_14 = arith.constant 0 : index
    %get3A_15 = vector.load %arg2[%get3A_13, %get3A_14] : memref<632x128xf32, #tpu.memory_space<vmem>>, vector<632x128xf32>
    %get3A_16 = arith.constant 0 : index
    %get3A_17 = arith.constant 0 : index
    %get3A_18 = vector.load %arg4[%get3A_16, %get3A_17] : memref<632x1xf32, #tpu.memory_space<vmem>>, vector<632x1xf32>
    %mul3A_19 = vector.broadcast %get3A_18 : vector<632x1xf32> to vector<632x128xf32>
    %mul3A_20 = arith.mulf %get3A_15, %mul3A_19 : vector<632x128xf32>
    %add3A_21 = arith.addf %mul3A_12, %mul3A_20 : vector<632x128xf32>
    %get3A_22 = arith.constant 0 : index
    %get3A_23 = arith.constant 0 : index
    %get3A_24 = vector.load %arg5[%get3A_22, %get3A_23] : memref<1x128xf32, #tpu.memory_space<vmem>>, vector<1x128xf32>
    %add3A_25 = vector.broadcast %get3A_24 : vector<1x128xf32> to vector<632x128xf32>
    %add3A_26 = arith.addf %add3A_21, %add3A_25 : vector<632x128xf32>
    %swap3A = arith.constant 0 : index
    %swap3A_27 = arith.constant 0 : index
    %swap3A_28 = vector.load %arg6[%swap3A, %swap3A_27] : memref<632x128xf32, #tpu.memory_space<vmem>>, vector<632x128xf32>
    tpu.vector_store %arg6[%swap3A, %swap3A_27], %add3A_26 {strides = array<i32>} : memref<632x128xf32, #tpu.memory_space<vmem>>, vector<632x128xf32>,
    return
  }
  func.func @transform_0(%arg0: i32) -> (i32, i32, i32) {
    %c0_i32 = arith.constant 0 : i32
    %c0_i32_0 = arith.constant 0 : i32
    %c0_i32_1 = arith.constant 0 : i32
    return %c0_i32, %arg0, %c0_i32_0 : i32, i32, i32
  }
  func.func @transform_1(%arg0: i32) -> (i32, i32) {
    %c0_i32 = arith.constant 0 : i32
    %c0_i32_0 = arith.constant 0 : i32
    return %arg0, %c0_i32 : i32, i32
  }
  func.func @transform_2(%arg0: i32) -> (i32, i32) {
    %c0_i32 = arith.constant 0 : i32
    %c0_i32_0 = arith.constant 0 : i32
    return %arg0, %c0_i32 : i32, i32
  }
  func.func @transform_3(%arg0: i32) -> (i32, i32) {
    %c0_i32 = arith.constant 0 : i32
    %c0_i32_0 = arith.constant 0 : i32
    return %arg0, %c0_i32 : i32, i32
  }
  func.func @transform_4(%arg0: i32) -> (i32, i32) {
    %c0_i32 = arith.constant 0 : i32
    %c0_i32_0 = arith.constant 0 : i32
    %c0_i32_1 = arith.constant 0 : i32
    return %c0_i32, %c0_i32_0 : i32, i32
  }
  func.func @transform_5(%arg0: i32) -> (i32, i32) {
    %c0_i32 = arith.constant 0 : i32
    %c0_i32_0 = arith.constant 0 : i32
    return %arg0, %c0_i32 : i32, i32
  }
}

</mosaic_0001>

<sc_bundles>
// kernel: kernel.11.cloned.1.call-start
scs
__scs_entry_jumppad:
0x0: {  	(pc) =	sbr.rel $0x88, $3  }
0x1: {  	(tag) =	ssettag $0x0;
	lr =	simm.s32 $0x1  }
0x2: {  	[smem:$0x3F9B] =	sst lr;
	_ =	strace $0xD0000000  }
0x3: {  	_ = 	snop  }
0x4: {  	_ = 	snop  }
0x5: {  	_ = 	snop  }
0x6: {  	_ = 	snop  }
0x7: {  	_ = 	snop  }
__scs_overlays_trampoline_lowered:
0x8: {  	[smem:$0x3FAA] =	sst s0  }
0x9: {  	[smem:$0x3FAB] =	sst s1  }
0xa: {  	[smem:$0x3FAC] =	sst s2  }
0xb: {  	[smem:$0x3FAD] =	sst s3  }
0xc: {  	[smem:$0x3FAE] =	sst s4  }
0xd: {  	[smem:$0x3FAF] =	sst s5  }
0xe: {  	[smem:$0x3FB0] =	sst s6  }
0xf: {  	[smem:$0x3FB1] =	sst s7  }
0x10: {  	[smem:$0x3FB2] =	sst s8  }
0x11: {  	[smem:$0x3FB3] =	sst s9;
	s0 =	simm.s32 @!p0 $0x0  }
0x12: {  	s1 =	sld [smem:$0x3F99];
	s0 =	simm.s32 @p0 $0x1  }
0x13: {  	[smem:$0x3FB4] =	sst s0;
	s0 =	simm.s32 @!p1 $0x0  }
0x14: {  	s2 =	sld [smem:$0x3F98];
	s0 =	simm.s32 @p1 $0x1  }
0x15: {  	[smem:$0x3FB5] =	sst s0;
	s0 =	simm.s32 @!p2 $0x0  }
0x16: {  	s3 =	sld [smem:$0x3FDB];
	s0 =	simm.s32 @p2 $0x1  }
0x17: {  	s4 =	simm.s32 $0x1BF5;
	[smem:$0x3FB7] =	sst s0  }
0x18: {  	s0 =	sld [smem:$0x3F9A];
	_ =	swait.ge [sflag:s4], $0x0  }
0x19: {  	s7 =	sld [smem:$0x3F9B]  }
0x1a: {  	s8 =	sadd.s32 $0xFFFFE003, lr  }
0x1b: {  	s9 =	sadd.s32 $0xFFFFFEF7, lr;
	s5 =	simm.s32 $0xFFFFFFFF;
	p2 =	slt.u32 s8, $0xFFFFF086  }
0x1c: {  	p1 =	slt.u32 s9, $0xF7A;
	s5 =	simm.s32 @!p2 $0x0  }
0x1d: {  	s5 =	simm.s32 @p1 $0x1;
	p0 =	seq.s32 s7, s2  }
0x1e: {  	s7 =	smul.u32 @!p0 $0xF7A, s2;
	p2 =	seq.s32 @!p0 s5, $0x0  }
0x1f: {  	s9 =	smul.u32 $0xF7A, s1;
	s8 =	simm.s32 @!p0 $0x1BF5;
	p2 =	por !p2, p0  }
0x20: {  	[sflag:s8] =	ssyncset.s32 @!p0 $0xFFFFF086;
	s6 =	sadd.s32 @!p0 s3, s7;
	s7 =	simm.s32 @!p0 $0x108  }
0x21: {  	s3 =	sadd.s32 s3, s9;
	s6 =	sadd.s32 @!p0 $0x88, s6;
	s7 =	simm.s32 @p2 $0x1082  }
0x22: {  	[simem:s7], [sflag:s8] =	dma.local @!p0 [hbm:s6], $0xF7A  }
0x23: {  	s9 =	sor.u32 $0xD0000000, s2;
	s6 =	simm.s32 $0x108;
	_ =	swait.ge @!p0 [sflag:s8], $0x0  }
0x24: {  	s3 =	sadd.s32 $0x88, s3;
	s6 =	simm.s32 @!p1 $0x1082;
	[sflag:s4] =	ssyncset.s32 $0xFFFFF086  }
0x25: {  	[simem:s6], [sflag:s4] =	dma.local [hbm:s3], $0xF7A  }
0x26: {  	[smem:$0x3F9B] =	sst s1;
	(tag) =	ssettag s2;
	_ =	strace s9  }
0x27: {  	s1 =	sld [smem:$0x3FAB]  }
0x28: {  	s2 =	sld [smem:$0x3FAC]  }
0x29: {  	s4 =	sld [smem:$0x3FAE]  }
0x2a: {  	p0 =	seq.s32 s5, $0x0;
	s5 =	sld [smem:$0x3FAF]  }
0x2b: {  	s6 =	sld [smem:$0x3FB0]  }
0x2c: {  	s7 =	sld [smem:$0x3FB1]  }
0x2d: {  	s3 =	simm.s32 $0x108;
	s8 =	sld [smem:$0x3FB2]  }
0x2e: {  	s3 =	simm.s32 @!p0 $0x1082;
	s9 =	sld [smem:$0x3FB3]  }
0x2f: {  	lr =	sadd.s32 s0, s3;
	s0 =	sld [smem:$0x3FAA]  }
0x30: {  	s3 =	sld [smem:$0x3FAD]  }
0x31: {  	[smem:$0x3FB6] =	sst s10  }
0x32: {  	s10 =	sld [smem:$0x3FB4];
	_ =	sdelay $0x3  }
0x33: {  	p0 =	seq.s32 s10, $0x1;
	s10 =	sld [smem:$0x3FB6];
	_ =	sdelay $0x3  }
0x34: {  	[smem:$0x3FB6] =	sst s10  }
0x35: {  	s10 =	sld [smem:$0x3FB5];
	_ =	sdelay $0x3  }
0x36: {  	p1 =	seq.s32 s10, $0x1;
	s10 =	sld [smem:$0x3FB6];
	_ =	sdelay $0x3  }
0x37: {  	[smem:$0x3FB6] =	sst s10  }
0x38: {  	s10 =	sld [smem:$0x3FB7]  }
0x39: {  	_ = 	snop;
	(pc) =	sbr.ind lr, $3  }
0x3a: {  	_ = 	snop  }
0x3b: {  	_ = 	snop  }
0x3c: {  	p2 =	seq.s32 s10, $0x1;
	s10 =	sld [smem:$0x3FB6]  }
0x3d: {  	_ =	shalt  }
0x3e: {  	_ =	shalt  }
0x3f: {  	_ =	shalt  }
0x40: {  	_ =	shalt  }
0x41: {  	_ =	shalt  }
0x42: {  	_ =	shalt  }
0x43: {  	_ =	shalt  }
0x44: {  	_ =	shalt  }
0x45: {  	_ =	shalt  }
0x46: {  	_ =	shalt  }
0x47: {  	_ =	shalt  }
0x48: {  	_ =	shalt  }
0x49: {  	_ =	shalt  }
0x4a: {  	_ =	shalt  }
0x4b: {  	_ =	shalt  }
0x4c: {  	_ =	shalt  }
0x4d: {  	_ =	shalt  }
0x4e: {  	_ =	shalt  }
0x4f: {  	_ =	shalt  }
0x50: {  	_ =	shalt  }
0x51: {  	_ =	shalt  }
0x52: {  	_ =	shalt  }
0x53: {  	_ =	shalt  }
0x54: {  	_ =	shalt  }
0x55: {  	_ =	shalt  }
0x56: {  	_ =	shalt  }
0x57: {  	_ =	shalt  }
0x58: {  	_ =	shalt  }
0x59: {  	_ =	shalt  }
0x5a: {  	_ =	shalt  }
0x5b: {  	_ =	shalt  }
0x5c: {  	_ =	shalt  }
0x5d: {  	_ =	shalt  }
0x5e: {  	_ =	shalt  }
0x5f: {  	_ =	shalt  }
0x60: {  	_ =	shalt  }
0x61: {  	_ =	shalt  }
0x62: {  	_ =	shalt  }
0x63: {  	_ =	shalt  }
0x64: {  	_ =	shalt  }
0x65: {  	_ =	shalt  }
0x66: {  	_ =	shalt  }
0x67: {  	_ =	shalt  }
0x68: {  	_ =	shalt  }
0x69: {  	_ =	shalt  }
0x6a: {  	_ =	shalt  }
0x6b: {  	_ =	shalt  }
0x6c: {  	_ =	shalt  }
0x6d: {  	_ =	shalt  }
0x6e: {  	_ =	shalt  }
0x6f: {  	_ =	shalt  }
0x70: {  	_ =	shalt  }
0x71: {  	_ =	shalt  }
0x72: {  	_ =	shalt  }
0x73: {  	_ =	shalt  }
0x74: {  	_ =	shalt  }
0x75: {  	_ =	shalt  }
0x76: {  	_ =	shalt  }
0x77: {  	_ =	shalt  }
0x78: {  	_ =	shalt  }
0x79: {  	_ =	shalt  }
0x7a: {  	_ =	shalt  }
0x7b: {  	_ =	shalt  }
0x7c: {  	_ =	shalt  }
0x7d: {  	_ =	shalt  }
0x7e: {  	_ =	shalt  }
0x7f: {  	_ =	shalt  }
0x80: {  	_ =	shalt  }
0x81: {  	_ =	shalt  }
0x82: {  	_ =	shalt  }
0x83: {  	_ =	shalt  }
0x84: {  	_ =	shalt  }
0x85: {  	_ =	shalt  }
0x86: {  	_ =	shalt  }
0x87: {  	_ =	shalt  }
.Lfunc_end0:
.L_simem_size_0:
called_computation.1_lowered:
.L_overlay_start_0:
0x88: {  	s2 =	sld [smem:$0x3FD9]  }
0x89: {  	s3 =	sld [smem:$0x3FFE];
	_ =	sdelay $0x1  }
0x8a: {  	s1 =	srdreg.scid  }
0x8b: {  	s0 =	sand.u32 $0x1, s1  }
0x8c: {  	s17 =	sshll.u32 s0, $0xA;
	s2 =	sadd.s32 s3, s2  }
0x8d: {  	s2 =	sadd.s32 s2, s17  }
0x8e: {  	[smem:$0x3FC2] =	sst s2  }
0x8f: {  	_ = 	snop  }
0x90: {  	s2 =	sld [smem:$0x3FD0];
	(tm) =	ssettm $0x1  }
0x91: {  	s18 =	sld [smem:$0x3FFB];
	_ =	sdelay $0x3  }
0x92: {  	_ =	strace s18  }
0x93: {  	s3 =	sld [smem:$0x3FFC];
	_ =	sdelay $0x3  }
0x94: {  	_ =	strace s3  }
0x95: {  	s3 =	sld [smem:$0x3FFD];
	_ =	sdelay $0x3  }
0x96: {  	_ =	strace s3  }
0x97: {  	_ =	strace $0x8FFFFFFF  }
0x98: {  	s19 =	sld [smem:$0x3FDB];
	_ =	sdelay $0x1  }
0x99: {  	s4 =	simm.s32 $_scs_section_size  }
0x9a: {  	s5 =	simm.s32 $_size__tile_overlayer_lowered;
	s6 =	simm.s32 $_tile_overlayer_lowered  }
0x9b: {  	s22 =	simm.s32 $0x1BFF;
	s21 =	sshll.u32 s6, $0x1;
	s3 =	sadd.s32 s4, s19  }
0x9c: {  	s7 =	simm.s32 $0x0;
	s20 =	sshll.u32 s5, $0x1;
	s5 =	sadd.s32 s21, s3  }
0x9d: {  	[timem:s7], [sflag:s22] =	dma.local [hbm:s5], s20  }
0x9e: {  	_ =	swait.ge [sflag:s22], s20  }
0x9f: {  	s4 =	ssub.s32 $0x0, s20;
	[sflag:s22] =	ssyncset.done $0x0  }
0xa0: {  	[sflag:s22] =	ssyncadd.s32 s4;
	_ =	sdelay $0x1  }
0xa1: {  	s23 =	simm.s32 $0x1B8B  }
0xa2: {  	_ =	swait.ge [sflag:s23], $0x1  }
0xa3: {  	[sflag:s23] =	ssyncset.done $0x0  }
0xa4: {  	s25 =	simm.s32 $0x1B8E;
	s24 =	sld [smem:$0x3FFE];
	[sflag:s23] =	ssyncadd.s32 $0xFFFFFFFF  }
0xa5: {  	s26 =	simm.s32 $execute0_lowered;
	[smem:$0x3FD2] =	sst s25  }
0xa6: {  	s5 =	sshll.u32 s26, $0x1;
	_ =	strace $0x80000049;
	[dreg:$0x1] =	wrdreg $0xFFFFFFFF  }
0xa7: {  	s28 =	simm.s32 $_size_execute0_lowered;
	s3 =	sadd.s32 s3, s5;
	[dreg:$0x0] =	wrdreg $0x0  }
0xa8: {  	s5 =	sshll.u32 s28, $0x1;
	[dreg:$0x2] =	wrdreg s3  }
0xa9: {  	[dreg:$0x3] =	wrdreg s5  }
0xaa: {  	[dreg:$0x4] =	wrdreg $0xC0  }
0xab: {  	_ =	task [dreg:s7], $0x5FFFF  }
0xac: {  	[dreg:$0x1] =	wrdreg $0xFFFFFFFF  }
0xad: {  	[dreg:$0x0] =	wrdreg $0x60  }
0xae: {  	[dreg:$0x2] =	wrdreg s24  }
0xaf: {  	[dreg:$0x3] =	wrdreg s2  }
0xb0: {  	[dreg:$0x4] =	wrdreg $0xB8000  }
0xb1: {  	[dreg:$0x5] =	wrdreg $0x9  }
0xb2: {  	_ =	task.clear_ibuf [dreg:s7], $0x6FFFF;
	_ =	strace $0x90000049  }
0xb3: {  	s29 =	simm.s32 $0x9;
	_ =	strace $0x8000004B  }
0xb4: {  	_ =	swait.ge [sflag:s29], $0x1  }
0xb5: {  	[sflag:s29] =	ssyncadd.s32 $0xFFFFFFFF  }
0xb6: {  	_ =	strace $0x9000004B  }
0xb7: {  	_ =	sfence  }
0xb8: {  	s30 =	sld [smem:$0x0];
	_ =	sdelay $0x2  }
0xb9: {  	s31 =	sshll.u32 s1, $0xD;
	s1 =	sshrl.u32 s1, $0x2  }
0xba: {  	s3 =	sand.u32 $0x4000, s31;
	s1 =	sadd.s32 s1, s30  }
0xbb: {  	s0 =	sor.u32 s3, s0;
	s1 =	sshll.u32 s1, $0x11  }
0xbc: {  	s0 =	sor.u32 s1, s0  }
0xbd: {  	s0 =	sadd.s32 $0x8F2B, s0  }
0xbe: {  	[sflag:s0] =	ssyncadd.remote.s32 $0x1  }
0xbf: {  	_ =	sfence.sel $0xFFFF  }
0xc0: {  	[dreg:$0x0] =	wrdreg $0xFFFFFFFF;
	(pc) =	sbr.abs _section_cstart, $3  }
0xc1: {  	[dreg:$0x1] =	wrdreg $0xFFFFFFFF  }
0xc2: {  	_ =	task.clear_ibuf [dreg:s7], $0x2FFFF;
	_ =	strace $0x9FFFFFFF  }
0xc3: {  	(tm) =	ssettm $0x7FFFFFFF  }
tec
execute0_lowered:
.L_overlay_start_1:
0x0: {  	(tag) =	ssettag $0x1  }
0x1: {  	s5 =	rddreg [dreg:$0x0]  }
0x2: {  	s6 =	rddreg [dreg:$0x1]  }
0x3: {  	s2 =	rddreg [dreg:$0x2];
	s3 =	srdreg.scid  }
0x4: {  	s0 =	rddreg [dreg:$0x3];
	s1 =	stileid.u32  }
0x5: {  	s15 =	simm.s32 $0x1;
	s16 =	simm.s32 $0x3C00;
	s17 =	simm.s32 $0x7800  }
0x6: {  	s18 =	simm.s32 $0x80;
	s21 =	simm.s32 $0x0;
	s8 =	smul.u32 $0x13C00, s1  }
0x7: {  	s11 =	sand.u32 $0x1, s3;
	s3 =	simm.s32 $0x0;
	s29 =	smul.u32 $0x4F000, s1  }
0x8: {  	s4 =	sshll.u32 s1, $0x1;
	s19 =	sshll.u32 s1, $0x6;
	s7 =	smul.u32 $0x13C000, s11  }
0x9: {  	[smem:$0x7FF] =	sst s3;
	s4 =	sor.u32 s11, s4;
	s12 =	ssub.s32 $0x2, s11  }
0xa: {  	p0 =	seq.s32 s11, $0x0;
	s11 =	simm.s32 $0x76;
	s19 =	sor.u32 $0x1C01, s19  }
0xb: {  	_ =	strace $0x8000004A;
	s9 =	smul.u32 $0x780, s4;
	s4 =	sadd.s32 $0x1200, s5  }
0xc: {  	s30 =	sshrl.u32 s12, $0x1;
	s31 =	sshrl.u32 s29, $0x2;
	s7 =	sadd.s32 s8, s7  }
0xd: {  	s11 =	simm.s32 @!p0 $0x28;
	s14 =	ssub.s32 s12, s30;
	s7 =	sshrl.u32 s7, $0x3  }
0xe: {  	s10 =	sadd.s32 s9, s5;
	s14 =	smax.u32 s14, $0x1;
	s13 =	sadd.s32 s7, s5  }
0xf: {  	s5 =	sadd.s32 s6, s9;
	s6 =	sadd.s32 s31, s2;
	s7 =	sadd.s32 $0x81A00, s10  }
0x10: {  	s8 =	sadd.s32 $0x4000, s6;
	s9 =	sadd.s32 $0x8000, s6;
	s10 =	sadd.s32 $0xC000, s6  }
0x11: {  	v0 =	vimm.f32 $0.0e+00;
	s12 =	sadd.s32 $0x10000, s6;
	s13 =	sadd.s32 $0x28A00, s13;
	s20 =	sshrl.u32 s6, $0x3  }
.LBB2_1:
0x12: {  	[tilespmem:s3], [sflag:$0x1] =	stream.linear.gather [hbm4b:s5+s3], $0x3B00, $0x38;
	[tilespmem:$0x1F400] =	vst v63  }
0x13: {  	_ =	swait.ge [sflag:s15], $0x3B00  }
0x14: {  	[sflag:s15] =	ssyncset.done $0x0  }
0x15: {  	[sflag:s15] =	ssyncadd.s32 $0xFFFFC500  }
0x16: {  	[tilespmem:s16], [sflag:$0x1] =	stream.linear.gather [hbm4b:s7+s3], $0x3B00, $0x38;
	[tilespmem:$0x1F400] =	vst v63  }
0x17: {  	_ =	swait.ge [sflag:s15], $0x3B00  }
0x18: {  	[sflag:s15] =	ssyncset.done $0x0  }
0x19: {  	s22 =	simm.s32 $0x0;
	s23 =	simm.s32 $0x200;
	[sflag:s15] =	ssyncadd.s32 $0xFFFFC500  }
.LBB2_2:
0x1a: {  	p0 =	sne.s32 s23, $0xFE00;
	[tilespmem:s22+$0x7870] =	vst v0  }
0x1b: {  	[tilespmem:s22+$0x7800] =	vst v0  }
0x1c: {  	[tilespmem:s22+$0x7810] =	vst v0  }
.Ltmp0:
0x1d: {  	[tilespmem:s22+$0x7820] =	vst v0;
	(pc) =	sbr.rel @p0 .LBB2_2-.Ltmp0, $4  }
0x1e: {  	[tilespmem:s22+$0x7830] =	vst v0  }
0x1f: {  	[tilespmem:s22+$0x7840] =	vst v0  }
0x20: {  	[tilespmem:s22+$0x7850] =	vst v0  }
0x21: {  	[tilespmem:s22+$0x7860] =	vst v0;
	s22 =	sshra.s32 s23, $0x2;
	s23 =	sadd.s32 $0x200, s23  }
0x22: {  	[tilespmem:s22+$0x7870] =	vst v0  }
0x23: {  	[tilespmem:s22+$0x7800] =	vst v0  }
0x24: {  	[tilespmem:s22+$0x7810] =	vst v0  }
0x25: {  	[tilespmem:s22+$0x7820] =	vst v0  }
0x26: {  	[tilespmem:s22+$0x7830] =	vst v0  }
0x27: {  	[tilespmem:s22+$0x7840] =	vst v0  }
0x28: {  	[tilespmem:s22+$0x7850] =	vst v0  }
0x29: {  	[tilespmem:s22+$0x7860] =	vst v0  }
0x2a: {  	[spmem:s6] =	stream.linear.scatter [tilespmem:s17], [sflag:$0x1], $0x4000, $0x38;
	[tilespmem:$0x1F400] =	vst v63  }
0x2b: {  	_ =	swait.ge [sflag:s15], $0x4000  }
0x2c: {  	[sflag:s15] =	ssyncset.done $0x0  }
0x2d: {  	[sflag:s15] =	ssyncadd.s32 $0xFFFFC000  }
0x2e: {  	[spmem:s8] =	stream.linear.scatter [tilespmem:s17], [sflag:$0x1], $0x4000, $0x38;
	[tilespmem:$0x1F400] =	vst v63  }
0x2f: {  	_ =	swait.ge [sflag:s15], $0x4000  }
0x30: {  	[sflag:s15] =	ssyncset.done $0x0  }
0x31: {  	[sflag:s15] =	ssyncadd.s32 $0xFFFFC000  }
0x32: {  	[spmem:s9] =	stream.linear.scatter [tilespmem:s17], [sflag:$0x1], $0x4000, $0x38;
	[tilespmem:$0x1F400] =	vst v63  }
0x33: {  	_ =	swait.ge [sflag:s15], $0x4000  }
0x34: {  	[sflag:s15] =	ssyncset.done $0x0  }
0x35: {  	[sflag:s15] =	ssyncadd.s32 $0xFFFFC000  }
0x36: {  	[spmem:s10] =	stream.linear.scatter [tilespmem:s17], [sflag:$0x1], $0x4000, $0x38;
	[tilespmem:$0x1F400] =	vst v63  }
0x37: {  	_ =	swait.ge [sflag:s15], $0x4000  }
0x38: {  	[sflag:s15] =	ssyncset.done $0x0  }
0x39: {  	[sflag:s15] =	ssyncadd.s32 $0xFFFFC000  }
0x3a: {  	[spmem:s12] =	stream.linear.scatter [tilespmem:s17], [sflag:$0x1], $0x3C00, $0x38;
	[tilespmem:$0x1F400] =	vst v63  }
0x3b: {  	_ =	swait.ge [sflag:s15], $0x3C00  }
0x3c: {  	[sflag:s15] =	ssyncset.done $0x0  }
0x3d: {  	[sflag:s15] =	ssyncadd.s32 $0xFFFFC400  }
0x3e: {  	s22 =	simm.s32 $0x0;
	[bflag:$0x0] =	sbarrier.arrive $0xFFFF  }
0x3f: {  	[tilespmem:s17], [sflag:$0x1] =	stream.indirect.gather [hbm4b:s4+s18], $0x80, s22, s18, $0xb8;
	[tilespmem:$0x1F400] =	vst v63  }
0x40: {  	p0 =	sne.s32 s11, $0x1;
	_ =	swait.ge [sflag:s15], $0x4000  }
.Ltmp1:
0x41: {  	[sflag:s15] =	ssyncset.done $0x0;
	(pc) =	sbr.rel @!p0 .LBB2_5-.Ltmp1, $4  }
0x42: {  	s23 =	simm.s32 $0x3C00;
	[sflag:s15] =	ssyncadd.s32 $0xFFFFC000  }
0x43: {  	[spmem:s2] =	stream.indirect.scatter.add.f32 [tilespmem:s17], [sflag:$0x1], $0x80, s23, s18, $0xb8;
	[tilespmem:$0x1F400] =	vst v63  }
0x44: {  	_ =	swait.ge [sflag:s15], $0x4000  }
0x45: {  	s24 =	sadd.s32 $0xFFFFFFFF, s11;
	[sflag:s15] =	ssyncset.done $0x0  }
.LBB2_4:
0x46: {  	[sflag:s15] =	ssyncadd.s32 $0xFFFFC000;
	s22 =	sadd.s32 $0x80, s22;
	s23 =	sadd.s32 $0x80, s23  }
0x47: {  	[tilespmem:s17], [sflag:$0x1] =	stream.indirect.gather [hbm4b:s4+s18], $0x80, s22, s18, $0xb8;
	[tilespmem:$0x1F400] =	vst v63  }
0x48: {  	p0 =	sne.s32 s24, $0x1;
	s24 =	sadd.s32 $0xFFFFFFFF, s24;
	_ =	swait.ge [sflag:s15], $0x4000  }
.Ltmp2:
0x49: {  	[sflag:s15] =	ssyncset.done $0x0;
	(pc) =	sbr.rel @p0 .LBB2_4-.Ltmp2, $4  }
0x4a: {  	[sflag:s15] =	ssyncadd.s32 $0xFFFFC000  }
0x4b: {  	[spmem:s2] =	stream.indirect.scatter.add.f32 [tilespmem:s17], [sflag:$0x1], $0x80, s23, s18, $0xb8;
	[tilespmem:$0x1F400] =	vst v63  }
0x4c: {  	_ =	swait.ge [sflag:s15], $0x4000  }
0x4d: {  	[sflag:s15] =	ssyncset.done $0x0  }
.LBB2_5:
0x4e: {  	s21 =	sadd.s32 $0x1, s21  }
0x4f: {  	[sflag:s15] =	ssyncadd.s32 $0xFFFFC000;
	p0 =	sne.s32 s21, s14  }
.Ltmp3:
0x50: {  	[bflag:$0x0] =	sbarrier.arrive $0xFFFF;
	(pc) =	sbr.rel @p0 .LBB2_1-.Ltmp3, $4  }
0x51: {  	[hbm:s13], [sflag:s19] =	dma.local [spmem:s20], $0x2780  }
0x52: {  	_ =	swait.ge [sflag:s15], $0x2780  }
0x53: {  	[sflag:s15] =	ssyncset.done $0x0  }
0x54: {  	[sflag:s15] =	ssyncadd.s32 $0xFFFFD880  }
0x55: {  	_ =	sfence.sel $0x180000  }
0x56: {  	[bflag:$0x0] =	sbarrier.arrive $0xFFFF  }
0x57: {  	p0 =	sne.s32 s1, $0x0;
	_ =	strace $0x9000004A  }
0x58: {  	s0 =	sadd.s32 @!p0 $0x100000, s0;
	[bflag:$0x2] =	sbarrier.arrive $0xFFFF  }
0x59: {  	[sflag:s0] =	ssyncadd.tile.s32 @!p0 $0x1;
	_ =	shalt  }
.Lfunc_end2:
_tile_overlayer_lowered:
.L_overlay_start_2:
0x5a: {  	(tag) =	ssettag $0x2  }
0x5b: {  	s0 =	rddreg [dreg:$0x0];
	s2 =	stileid.u32  }
0x5c: {  	s1 =	rddreg [dreg:$0x1];
	p0 =	sne.s32 s2, $0x0  }
0x5d: {  	s3 =	rddreg [dreg:$0x2];
	[bflag:$0x3] =	sbarrier.arrive $0xFFFF;
	s2 =	simm.s32 @!p0 $0x1C01  }
0x5e: {  	[timem:s3], [sflag:s2] =	dma.local @!p0 [hbm:s0], s1  }
0x5f: {  	s0 =	simm.s32 @!p0 $0x1  }
0x60: {  	_ =	swait.ge @!p0 [sflag:s0], s1  }
0x61: {  	s1 =	ssub.s32 @!p0 $0x0, s1;
	[sflag:s0] =	ssyncset.done @!p0 $0x0  }
0x62: {  	[sflag:s0] =	ssyncadd.s32 @!p0 s1  }
0x63: {  	[bflag:$0x3] =	sbarrier.arrive $0xFFFF  }
0x64: {  	_ =	shalt  }

// kernel: kernel.14.cloned.1.call-start
scs
__scs_entry_jumppad:
0x0: {  	(pc) =	sbr.rel $0x88, $3  }
0x1: {  	(tag) =	ssettag $0x0;
	lr =	simm.s32 $0x1  }
0x2: {  	[smem:$0x3F9B] =	sst lr;
	_ =	strace $0xD0000000  }
0x3: {  	_ = 	snop  }
0x4: {  	_ = 	snop  }
0x5: {  	_ = 	snop  }
0x6: {  	_ = 	snop  }
0x7: {  	_ = 	snop  }
__scs_overlays_trampoline_lowered:
0x8: {  	[smem:$0x3FAA] =	sst s0  }
0x9: {  	[smem:$0x3FAB] =	sst s1  }
0xa: {  	[smem:$0x3FAC] =	sst s2  }
0xb: {  	[smem:$0x3FAD] =	sst s3  }
0xc: {  	[smem:$0x3FAE] =	sst s4  }
0xd: {  	[smem:$0x3FAF] =	sst s5  }
0xe: {  	[smem:$0x3FB0] =	sst s6  }
0xf: {  	[smem:$0x3FB1] =	sst s7  }
0x10: {  	[smem:$0x3FB2] =	sst s8  }
0x11: {  	[smem:$0x3FB3] =	sst s9;
	s0 =	simm.s32 @!p0 $0x0  }
0x12: {  	s1 =	sld [smem:$0x3F99];
	s0 =	simm.s32 @p0 $0x1  }
0x13: {  	[smem:$0x3FB4] =	sst s0;
	s0 =	simm.s32 @!p1 $0x0  }
0x14: {  	s2 =	sld [smem:$0x3F98];
	s0 =	simm.s32 @p1 $0x1  }
0x15: {  	[smem:$0x3FB5] =	sst s0;
	s0 =	simm.s32 @!p2 $0x0  }
0x16: {  	s3 =	sld [smem:$0x3FDB];
	s0 =	simm.s32 @p2 $0x1  }
0x17: {  	s4 =	simm.s32 $0x1BF5;
	[smem:$0x3FB7] =	sst s0  }
0x18: {  	s0 =	sld [smem:$0x3F9A];
	_ =	swait.ge [sflag:s4], $0x0  }
0x19: {  	s7 =	sld [smem:$0x3F9B]  }
0x1a: {  	s8 =	sadd.s32 $0xFFFFE003, lr  }
0x1b: {  	s9 =	sadd.s32 $0xFFFFFEF7, lr;
	s5 =	simm.s32 $0xFFFFFFFF;
	p2 =	slt.u32 s8, $0xFFFFF086  }
0x1c: {  	p1 =	slt.u32 s9, $0xF7A;
	s5 =	simm.s32 @!p2 $0x0  }
0x1d: {  	s5 =	simm.s32 @p1 $0x1;
	p0 =	seq.s32 s7, s2  }
0x1e: {  	s7 =	smul.u32 @!p0 $0xF7A, s2;
	p2 =	seq.s32 @!p0 s5, $0x0  }
0x1f: {  	s9 =	smul.u32 $0xF7A, s1;
	s8 =	simm.s32 @!p0 $0x1BF5;
	p2 =	por !p2, p0  }
0x20: {  	[sflag:s8] =	ssyncset.s32 @!p0 $0xFFFFF086;
	s6 =	sadd.s32 @!p0 s3, s7;
	s7 =	simm.s32 @!p0 $0x108  }
0x21: {  	s3 =	sadd.s32 s3, s9;
	s6 =	sadd.s32 @!p0 $0x88, s6;
	s7 =	simm.s32 @p2 $0x1082  }
0x22: {  	[simem:s7], [sflag:s8] =	dma.local @!p0 [hbm:s6], $0xF7A  }
0x23: {  	s9 =	sor.u32 $0xD0000000, s2;
	s6 =	simm.s32 $0x108;
	_ =	swait.ge @!p0 [sflag:s8], $0x0  }
0x24: {  	s3 =	sadd.s32 $0x88, s3;
	s6 =	simm.s32 @!p1 $0x1082;
	[sflag:s4] =	ssyncset.s32 $0xFFFFF086  }
0x25: {  	[simem:s6], [sflag:s4] =	dma.local [hbm:s3], $0xF7A  }
0x26: {  	[smem:$0x3F9B] =	sst s1;
	(tag) =	ssettag s2;
	_ =	strace s9  }
0x27: {  	s1 =	sld [smem:$0x3FAB]  }
0x28: {  	s2 =	sld [smem:$0x3FAC]  }
0x29: {  	s4 =	sld [smem:$0x3FAE]  }
0x2a: {  	p0 =	seq.s32 s5, $0x0;
	s5 =	sld [smem:$0x3FAF]  }
0x2b: {  	s6 =	sld [smem:$0x3FB0]  }
0x2c: {  	s7 =	sld [smem:$0x3FB1]  }
0x2d: {  	s3 =	simm.s32 $0x108;
	s8 =	sld [smem:$0x3FB2]  }
0x2e: {  	s3 =	simm.s32 @!p0 $0x1082;
	s9 =	sld [smem:$0x3FB3]  }
0x2f: {  	lr =	sadd.s32 s0, s3;
	s0 =	sld [smem:$0x3FAA]  }
0x30: {  	s3 =	sld [smem:$0x3FAD]  }
0x31: {  	[smem:$0x3FB6] =	sst s10  }
0x32: {  	s10 =	sld [smem:$0x3FB4];
	_ =	sdelay $0x3  }
0x33: {  	p0 =	seq.s32 s10, $0x1;
	s10 =	sld [smem:$0x3FB6];
	_ =	sdelay $0x3  }
0x34: {  	[smem:$0x3FB6] =	sst s10  }
0x35: {  	s10 =	sld [smem:$0x3FB5];
	_ =	sdelay $0x3  }
0x36: {  	p1 =	seq.s32 s10, $0x1;
	s10 =	sld [smem:$0x3FB6];
	_ =	sdelay $0x3  }
0x37: {  	[smem:$0x3FB6] =	sst s10  }
0x38: {  	s10 =	sld [smem:$0x3FB7]  }
0x39: {  	_ = 	snop;
	(pc) =	sbr.ind lr, $3  }
0x3a: {  	_ = 	snop  }
0x3b: {  	_ = 	snop  }
0x3c: {  	p2 =	seq.s32 s10, $0x1;
	s10 =	sld [smem:$0x3FB6]  }
0x3d: {  	_ =	shalt  }
0x3e: {  	_ =	shalt  }
0x3f: {  	_ =	shalt  }
0x40: {  	_ =	shalt  }
0x41: {  	_ =	shalt  }
0x42: {  	_ =	shalt  }
0x43: {  	_ =	shalt  }
0x44: {  	_ =	shalt  }
0x45: {  	_ =	shalt  }
0x46: {  	_ =	shalt  }
0x47: {  	_ =	shalt  }
0x48: {  	_ =	shalt  }
0x49: {  	_ =	shalt  }
0x4a: {  	_ =	shalt  }
0x4b: {  	_ =	shalt  }
0x4c: {  	_ =	shalt  }
0x4d: {  	_ =	shalt  }
0x4e: {  	_ =	shalt  }
0x4f: {  	_ =	shalt  }
0x50: {  	_ =	shalt  }
0x51: {  	_ =	shalt  }
0x52: {  	_ =	shalt  }
0x53: {  	_ =	shalt  }
0x54: {  	_ =	shalt  }
0x55: {  	_ =	shalt  }
0x56: {  	_ =	shalt  }
0x57: {  	_ =	shalt  }
0x58: {  	_ =	shalt  }
0x59: {  	_ =	shalt  }
0x5a: {  	_ =	shalt  }
0x5b: {  	_ =	shalt  }
0x5c: {  	_ =	shalt  }
0x5d: {  	_ =	shalt  }
0x5e: {  	_ =	shalt  }
0x5f: {  	_ =	shalt  }
0x60: {  	_ =	shalt  }
0x61: {  	_ =	shalt  }
0x62: {  	_ =	shalt  }
0x63: {  	_ =	shalt  }
0x64: {  	_ =	shalt  }
0x65: {  	_ =	shalt  }
0x66: {  	_ =	shalt  }
0x67: {  	_ =	shalt  }
0x68: {  	_ =	shalt  }
0x69: {  	_ =	shalt  }
0x6a: {  	_ =	shalt  }
0x6b: {  	_ =	shalt  }
0x6c: {  	_ =	shalt  }
0x6d: {  	_ =	shalt  }
0x6e: {  	_ =	shalt  }
0x6f: {  	_ =	shalt  }
0x70: {  	_ =	shalt  }
0x71: {  	_ =	shalt  }
0x72: {  	_ =	shalt  }
0x73: {  	_ =	shalt  }
0x74: {  	_ =	shalt  }
0x75: {  	_ =	shalt  }
0x76: {  	_ =	shalt  }
0x77: {  	_ =	shalt  }
0x78: {  	_ =	shalt  }
0x79: {  	_ =	shalt  }
0x7a: {  	_ =	shalt  }
0x7b: {  	_ =	shalt  }
0x7c: {  	_ =	shalt  }
0x7d: {  	_ =	shalt  }
0x7e: {  	_ =	shalt  }
0x7f: {  	_ =	shalt  }
0x80: {  	_ =	shalt  }
0x81: {  	_ =	shalt  }
0x82: {  	_ =	shalt  }
0x83: {  	_ =	shalt  }
0x84: {  	_ =	shalt  }
0x85: {  	_ =	shalt  }
0x86: {  	_ =	shalt  }
0x87: {  	_ =	shalt  }
.Lfunc_end0:
.L_simem_size_0:
called_computation.2_lowered:
.L_overlay_start_0:
0x88: {  	s2 =	sld [smem:$0x3FD9]  }
0x89: {  	s3 =	sld [smem:$0x3FFE];
	_ =	sdelay $0x1  }
0x8a: {  	s1 =	srdreg.scid  }
0x8b: {  	s0 =	sand.u32 $0x1, s1  }
0x8c: {  	s17 =	sshll.u32 s0, $0xA;
	s2 =	sadd.s32 s3, s2  }
0x8d: {  	s2 =	sadd.s32 s2, s17  }
0x8e: {  	[smem:$0x3FC2] =	sst s2  }
0x8f: {  	_ = 	snop  }
0x90: {  	s2 =	sld [smem:$0x3FD0];
	(tm) =	ssettm $0x1  }
0x91: {  	s18 =	sld [smem:$0x3FFB];
	_ =	sdelay $0x3  }
0x92: {  	_ =	strace s18  }
0x93: {  	s3 =	sld [smem:$0x3FFC];
	_ =	sdelay $0x3  }
0x94: {  	_ =	strace s3  }
0x95: {  	s3 =	sld [smem:$0x3FFD];
	_ =	sdelay $0x3  }
0x96: {  	_ =	strace s3  }
0x97: {  	_ =	strace $0x8FFFFFFF  }
0x98: {  	s19 =	sld [smem:$0x3FDB];
	_ =	sdelay $0x1  }
0x99: {  	s4 =	simm.s32 $_scs_section_size  }
0x9a: {  	s5 =	simm.s32 $_size__tile_overlayer_lowered;
	s6 =	simm.s32 $_tile_overlayer_lowered  }
0x9b: {  	s22 =	simm.s32 $0x1BFF;
	s21 =	sshll.u32 s6, $0x1;
	s3 =	sadd.s32 s4, s19  }
0x9c: {  	s7 =	simm.s32 $0x0;
	s20 =	sshll.u32 s5, $0x1;
	s5 =	sadd.s32 s21, s3  }
0x9d: {  	[timem:s7], [sflag:s22] =	dma.local [hbm:s5], s20  }
0x9e: {  	_ =	swait.ge [sflag:s22], s20  }
0x9f: {  	s4 =	ssub.s32 $0x0, s20;
	[sflag:s22] =	ssyncset.done $0x0  }
0xa0: {  	[sflag:s22] =	ssyncadd.s32 s4;
	_ =	sdelay $0x1  }
0xa1: {  	s23 =	simm.s32 $0x1B8B  }
0xa2: {  	_ =	swait.ge [sflag:s23], $0x1  }
0xa3: {  	[sflag:s23] =	ssyncset.done $0x0  }
0xa4: {  	s25 =	simm.s32 $0x1B8E;
	s24 =	sld [smem:$0x3FFE];
	[sflag:s23] =	ssyncadd.s32 $0xFFFFFFFF  }
0xa5: {  	s26 =	simm.s32 $execute0_lowered;
	[smem:$0x3FD2] =	sst s25  }
0xa6: {  	s5 =	sshll.u32 s26, $0x1;
	_ =	strace $0x8000004C;
	[dreg:$0x1] =	wrdreg $0xFFFFFFFF  }
0xa7: {  	s28 =	simm.s32 $_size_execute0_lowered;
	s3 =	sadd.s32 s3, s5;
	[dreg:$0x0] =	wrdreg $0x0  }
0xa8: {  	s5 =	sshll.u32 s28, $0x1;
	[dreg:$0x2] =	wrdreg s3  }
0xa9: {  	[dreg:$0x3] =	wrdreg s5  }
0xaa: {  	[dreg:$0x4] =	wrdreg $0xC0  }
0xab: {  	_ =	task [dreg:s7], $0x5FFFF  }
0xac: {  	[dreg:$0x1] =	wrdreg $0xFFFFFFFF  }
0xad: {  	[dreg:$0x0] =	wrdreg $0x60  }
0xae: {  	[dreg:$0x2] =	wrdreg s24  }
0xaf: {  	[dreg:$0x3] =	wrdreg s2  }
0xb0: {  	[dreg:$0x4] =	wrdreg $0xB8000  }
0xb1: {  	[dreg:$0x5] =	wrdreg $0x9  }
0xb2: {  	_ =	task.clear_ibuf [dreg:s7], $0x6FFFF;
	_ =	strace $0x9000004C  }
0xb3: {  	s29 =	simm.s32 $0x9;
	_ =	strace $0x8000004E  }
0xb4: {  	_ =	swait.ge [sflag:s29], $0x1  }
0xb5: {  	[sflag:s29] =	ssyncadd.s32 $0xFFFFFFFF  }
0xb6: {  	_ =	strace $0x9000004E  }
0xb7: {  	_ =	sfence  }
0xb8: {  	s30 =	sld [smem:$0x0];
	_ =	sdelay $0x2  }
0xb9: {  	s31 =	sshll.u32 s1, $0xD;
	s1 =	sshrl.u32 s1, $0x2  }
0xba: {  	s3 =	sand.u32 $0x4000, s31;
	s1 =	sadd.s32 s1, s30  }
0xbb: {  	s0 =	sor.u32 s3, s0;
	s1 =	sshll.u32 s1, $0x11  }
0xbc: {  	s0 =	sor.u32 s1, s0  }
0xbd: {  	s0 =	sadd.s32 $0x8F2B, s0  }
0xbe: {  	[sflag:s0] =	ssyncadd.remote.s32 $0x1  }
0xbf: {  	_ =	sfence.sel $0xFFFF  }
0xc0: {  	[dreg:$0x0] =	wrdreg $0xFFFFFFFF;
	(pc) =	sbr.abs _section_cstart, $3  }
0xc1: {  	[dreg:$0x1] =	wrdreg $0xFFFFFFFF  }
0xc2: {  	_ =	task.clear_ibuf [dreg:s7], $0x2FFFF;
	_ =	strace $0x9FFFFFFF  }
0xc3: {  	(tm) =	ssettm $0x7FFFFFFF  }
tec
execute0_lowered:
.L_overlay_start_1:
0x0: {  	(tag) =	ssettag $0x1  }
0x1: {  	s5 =	rddreg [dreg:$0x0]  }
0x2: {  	s6 =	rddreg [dreg:$0x1]  }
0x3: {  	s2 =	rddreg [dreg:$0x2];
	s3 =	srdreg.scid  }
0x4: {  	s0 =	rddreg [dreg:$0x3];
	s1 =	stileid.u32  }
0x5: {  	s15 =	simm.s32 $0x1;
	s16 =	simm.s32 $0x3C00;
	s17 =	simm.s32 $0x7800  }
0x6: {  	s18 =	simm.s32 $0x80;
	s21 =	simm.s32 $0x0;
	s8 =	smul.u32 $0x13C00, s1  }
0x7: {  	s11 =	sand.u32 $0x1, s3;
	s3 =	simm.s32 $0x0;
	s29 =	smul.u32 $0x4F000, s1  }
0x8: {  	s4 =	sshll.u32 s1, $0x1;
	s19 =	sshll.u32 s1, $0x6;
	s7 =	smul.u32 $0x13C000, s11  }
0x9: {  	[smem:$0x7FF] =	sst s3;
	s4 =	sor.u32 s11, s4;
	s12 =	ssub.s32 $0x2, s11  }
0xa: {  	p0 =	seq.s32 s11, $0x0;
	s11 =	simm.s32 $0x76;
	s19 =	sor.u32 $0x1C01, s19  }
0xb: {  	_ =	strace $0x8000004D;
	s9 =	smul.u32 $0x780, s4;
	s4 =	sadd.s32 $0x1200, s5  }
0xc: {  	s30 =	sshrl.u32 s12, $0x1;
	s31 =	sshrl.u32 s29, $0x2;
	s7 =	sadd.s32 s8, s7  }
0xd: {  	s11 =	simm.s32 @!p0 $0x28;
	s14 =	ssub.s32 s12, s30;
	s7 =	sshrl.u32 s7, $0x3  }
0xe: {  	s10 =	sadd.s32 s9, s5;
	s14 =	smax.u32 s14, $0x1;
	s13 =	sadd.s32 s7, s5  }
0xf: {  	s5 =	sadd.s32 s6, s9;
	s6 =	sadd.s32 s31, s2;
	s7 =	sadd.s32 $0x81A00, s10  }
0x10: {  	s8 =	sadd.s32 $0x4000, s6;
	s9 =	sadd.s32 $0x8000, s6;
	s10 =	sadd.s32 $0xC000, s6  }
0x11: {  	v0 =	vimm.f32 $0.0e+00;
	s12 =	sadd.s32 $0x10000, s6;
	s13 =	sadd.s32 $0x28A00, s13;
	s20 =	sshrl.u32 s6, $0x3  }
.LBB2_1:
0x12: {  	[tilespmem:s3], [sflag:$0x1] =	stream.linear.gather [hbm4b:s5+s3], $0x3B00, $0x38;
	[tilespmem:$0x1F400] =	vst v63  }
0x13: {  	_ =	swait.ge [sflag:s15], $0x3B00  }
0x14: {  	[sflag:s15] =	ssyncset.done $0x0  }
0x15: {  	[sflag:s15] =	ssyncadd.s32 $0xFFFFC500  }
0x16: {  	[tilespmem:s16], [sflag:$0x1] =	stream.linear.gather [hbm4b:s7+s3], $0x3B00, $0x38;
	[tilespmem:$0x1F400] =	vst v63  }
0x17: {  	_ =	swait.ge [sflag:s15], $0x3B00  }
0x18: {  	[sflag:s15] =	ssyncset.done $0x0  }
0x19: {  	s22 =	simm.s32 $0x0;
	s23 =	simm.s32 $0x200;
	[sflag:s15] =	ssyncadd.s32 $0xFFFFC500  }
.LBB2_2:
0x1a: {  	p0 =	sne.s32 s23, $0xFE00;
	[tilespmem:s22+$0x7870] =	vst v0  }
0x1b: {  	[tilespmem:s22+$0x7800] =	vst v0  }
0x1c: {  	[tilespmem:s22+$0x7810] =	vst v0  }
.Ltmp0:
0x1d: {  	[tilespmem:s22+$0x7820] =	vst v0;
	(pc) =	sbr.rel @p0 .LBB2_2-.Ltmp0, $4  }
0x1e: {  	[tilespmem:s22+$0x7830] =	vst v0  }
0x1f: {  	[tilespmem:s22+$0x7840] =	vst v0  }
0x20: {  	[tilespmem:s22+$0x7850] =	vst v0  }
0x21: {  	[tilespmem:s22+$0x7860] =	vst v0;
	s22 =	sshra.s32 s23, $0x2;
	s23 =	sadd.s32 $0x200, s23  }
0x22: {  	[tilespmem:s22+$0x7870] =	vst v0  }
0x23: {  	[tilespmem:s22+$0x7800] =	vst v0  }
0x24: {  	[tilespmem:s22+$0x7810] =	vst v0  }
0x25: {  	[tilespmem:s22+$0x7820] =	vst v0  }
0x26: {  	[tilespmem:s22+$0x7830] =	vst v0  }
0x27: {  	[tilespmem:s22+$0x7840] =	vst v0  }
0x28: {  	[tilespmem:s22+$0x7850] =	vst v0  }
0x29: {  	[tilespmem:s22+$0x7860] =	vst v0  }
0x2a: {  	[spmem:s6] =	stream.linear.scatter [tilespmem:s17], [sflag:$0x1], $0x4000, $0x38;
	[tilespmem:$0x1F400] =	vst v63  }
0x2b: {  	_ =	swait.ge [sflag:s15], $0x4000  }
0x2c: {  	[sflag:s15] =	ssyncset.done $0x0  }
0x2d: {  	[sflag:s15] =	ssyncadd.s32 $0xFFFFC000  }
0x2e: {  	[spmem:s8] =	stream.linear.scatter [tilespmem:s17], [sflag:$0x1], $0x4000, $0x38;
	[tilespmem:$0x1F400] =	vst v63  }
0x2f: {  	_ =	swait.ge [sflag:s15], $0x4000  }
0x30: {  	[sflag:s15] =	ssyncset.done $0x0  }
0x31: {  	[sflag:s15] =	ssyncadd.s32 $0xFFFFC000  }
0x32: {  	[spmem:s9] =	stream.linear.scatter [tilespmem:s17], [sflag:$0x1], $0x4000, $0x38;
	[tilespmem:$0x1F400] =	vst v63  }
0x33: {  	_ =	swait.ge [sflag:s15], $0x4000  }
0x34: {  	[sflag:s15] =	ssyncset.done $0x0  }
0x35: {  	[sflag:s15] =	ssyncadd.s32 $0xFFFFC000  }
0x36: {  	[spmem:s10] =	stream.linear.scatter [tilespmem:s17], [sflag:$0x1], $0x4000, $0x38;
	[tilespmem:$0x1F400] =	vst v63  }
0x37: {  	_ =	swait.ge [sflag:s15], $0x4000  }
0x38: {  	[sflag:s15] =	ssyncset.done $0x0  }
0x39: {  	[sflag:s15] =	ssyncadd.s32 $0xFFFFC000  }
0x3a: {  	[spmem:s12] =	stream.linear.scatter [tilespmem:s17], [sflag:$0x1], $0x3C00, $0x38;
	[tilespmem:$0x1F400] =	vst v63  }
0x3b: {  	_ =	swait.ge [sflag:s15], $0x3C00  }
0x3c: {  	[sflag:s15] =	ssyncset.done $0x0  }
0x3d: {  	[sflag:s15] =	ssyncadd.s32 $0xFFFFC400  }
0x3e: {  	s22 =	simm.s32 $0x0;
	[bflag:$0x0] =	sbarrier.arrive $0xFFFF  }
0x3f: {  	[tilespmem:s17], [sflag:$0x1] =	stream.indirect.gather [hbm4b:s4+s18], $0x80, s22, s18, $0xb8;
	[tilespmem:$0x1F400] =	vst v63  }
0x40: {  	p0 =	sne.s32 s11, $0x1;
	_ =	swait.ge [sflag:s15], $0x4000  }
.Ltmp1:
0x41: {  	[sflag:s15] =	ssyncset.done $0x0;
	(pc) =	sbr.rel @!p0 .LBB2_5-.Ltmp1, $4  }
0x42: {  	s23 =	simm.s32 $0x3C00;
	[sflag:s15] =	ssyncadd.s32 $0xFFFFC000  }
0x43: {  	[spmem:s2] =	stream.indirect.scatter.add.f32 [tilespmem:s17], [sflag:$0x1], $0x80, s23, s18, $0xb8;
	[tilespmem:$0x1F400] =	vst v63  }
0x44: {  	_ =	swait.ge [sflag:s15], $0x4000  }
0x45: {  	s24 =	sadd.s32 $0xFFFFFFFF, s11;
	[sflag:s15] =	ssyncset.done $0x0  }
.LBB2_4:
0x46: {  	[sflag:s15] =	ssyncadd.s32 $0xFFFFC000;
	s22 =	sadd.s32 $0x80, s22;
	s23 =	sadd.s32 $0x80, s23  }
0x47: {  	[tilespmem:s17], [sflag:$0x1] =	stream.indirect.gather [hbm4b:s4+s18], $0x80, s22, s18, $0xb8;
	[tilespmem:$0x1F400] =	vst v63  }
0x48: {  	p0 =	sne.s32 s24, $0x1;
	s24 =	sadd.s32 $0xFFFFFFFF, s24;
	_ =	swait.ge [sflag:s15], $0x4000  }
.Ltmp2:
0x49: {  	[sflag:s15] =	ssyncset.done $0x0;
	(pc) =	sbr.rel @p0 .LBB2_4-.Ltmp2, $4  }
0x4a: {  	[sflag:s15] =	ssyncadd.s32 $0xFFFFC000  }
0x4b: {  	[spmem:s2] =	stream.indirect.scatter.add.f32 [tilespmem:s17], [sflag:$0x1], $0x80, s23, s18, $0xb8;
	[tilespmem:$0x1F400] =	vst v63  }
0x4c: {  	_ =	swait.ge [sflag:s15], $0x4000  }
0x4d: {  	[sflag:s15] =	ssyncset.done $0x0  }
.LBB2_5:
0x4e: {  	s21 =	sadd.s32 $0x1, s21  }
0x4f: {  	[sflag:s15] =	ssyncadd.s32 $0xFFFFC000;
	p0 =	sne.s32 s21, s14  }
.Ltmp3:
0x50: {  	[bflag:$0x0] =	sbarrier.arrive $0xFFFF;
	(pc) =	sbr.rel @p0 .LBB2_1-.Ltmp3, $4  }
0x51: {  	[hbm:s13], [sflag:s19] =	dma.local [spmem:s20], $0x2780  }
0x52: {  	_ =	swait.ge [sflag:s15], $0x2780  }
0x53: {  	[sflag:s15] =	ssyncset.done $0x0  }
0x54: {  	[sflag:s15] =	ssyncadd.s32 $0xFFFFD880  }
0x55: {  	_ =	sfence.sel $0x180000  }
0x56: {  	[bflag:$0x0] =	sbarrier.arrive $0xFFFF  }
0x57: {  	p0 =	sne.s32 s1, $0x0;
	_ =	strace $0x9000004D  }
0x58: {  	s0 =	sadd.s32 @!p0 $0x100000, s0;
	[bflag:$0x2] =	sbarrier.arrive $0xFFFF  }
0x59: {  	[sflag:s0] =	ssyncadd.tile.s32 @!p0 $0x1;
	_ =	shalt  }
.Lfunc_end2:
_tile_overlayer_lowered:
.L_overlay_start_2:
0x5a: {  	(tag) =	ssettag $0x2  }
0x5b: {  	s0 =	rddreg [dreg:$0x0];
	s2 =	stileid.u32  }
0x5c: {  	s1 =	rddreg [dreg:$0x1];
	p0 =	sne.s32 s2, $0x0  }
0x5d: {  	s3 =	rddreg [dreg:$0x2];
	[bflag:$0x3] =	sbarrier.arrive $0xFFFF;
	s2 =	simm.s32 @!p0 $0x1C01  }
0x5e: {  	[timem:s3], [sflag:s2] =	dma.local @!p0 [hbm:s0], s1  }
0x5f: {  	s0 =	simm.s32 @!p0 $0x1  }
0x60: {  	_ =	swait.ge @!p0 [sflag:s0], s1  }
0x61: {  	s1 =	ssub.s32 @!p0 $0x0, s1;
	[sflag:s0] =	ssyncset.done @!p0 $0x0  }
0x62: {  	[sflag:s0] =	ssyncadd.s32 @!p0 s1  }
0x63: {  	[bflag:$0x3] =	sbarrier.arrive $0xFFFF  }
0x64: {  	_ =	shalt  }

// kernel: kernel.8.cloned.1.call-start
scs
__scs_entry_jumppad:
0x0: {  	(pc) =	sbr.rel $0x88, $3  }
0x1: {  	(tag) =	ssettag $0x0;
	lr =	simm.s32 $0x1  }
0x2: {  	[smem:$0x3F9B] =	sst lr;
	_ =	strace $0xD0000000  }
0x3: {  	_ = 	snop  }
0x4: {  	_ = 	snop  }
0x5: {  	_ = 	snop  }
0x6: {  	_ = 	snop  }
0x7: {  	_ = 	snop  }
__scs_overlays_trampoline_lowered:
0x8: {  	[smem:$0x3FAA] =	sst s0  }
0x9: {  	[smem:$0x3FAB] =	sst s1  }
0xa: {  	[smem:$0x3FAC] =	sst s2  }
0xb: {  	[smem:$0x3FAD] =	sst s3  }
0xc: {  	[smem:$0x3FAE] =	sst s4  }
0xd: {  	[smem:$0x3FAF] =	sst s5  }
0xe: {  	[smem:$0x3FB0] =	sst s6  }
0xf: {  	[smem:$0x3FB1] =	sst s7  }
0x10: {  	[smem:$0x3FB2] =	sst s8  }
0x11: {  	[smem:$0x3FB3] =	sst s9;
	s0 =	simm.s32 @!p0 $0x0  }
0x12: {  	s1 =	sld [smem:$0x3F99];
	s0 =	simm.s32 @p0 $0x1  }
0x13: {  	[smem:$0x3FB4] =	sst s0;
	s0 =	simm.s32 @!p1 $0x0  }
0x14: {  	s2 =	sld [smem:$0x3F98];
	s0 =	simm.s32 @p1 $0x1  }
0x15: {  	[smem:$0x3FB5] =	sst s0;
	s0 =	simm.s32 @!p2 $0x0  }
0x16: {  	s3 =	sld [smem:$0x3FDB];
	s0 =	simm.s32 @p2 $0x1  }
0x17: {  	s4 =	simm.s32 $0x1BF5;
	[smem:$0x3FB7] =	sst s0  }
0x18: {  	s0 =	sld [smem:$0x3F9A];
	_ =	swait.ge [sflag:s4], $0x0  }
0x19: {  	s7 =	sld [smem:$0x3F9B]  }
0x1a: {  	s8 =	sadd.s32 $0xFFFFE003, lr  }
0x1b: {  	s9 =	sadd.s32 $0xFFFFFEF7, lr;
	s5 =	simm.s32 $0xFFFFFFFF;
	p2 =	slt.u32 s8, $0xFFFFF086  }
0x1c: {  	p1 =	slt.u32 s9, $0xF7A;
	s5 =	simm.s32 @!p2 $0x0  }
0x1d: {  	s5 =	simm.s32 @p1 $0x1;
	p0 =	seq.s32 s7, s2  }
0x1e: {  	s7 =	smul.u32 @!p0 $0xF7A, s2;
	p2 =	seq.s32 @!p0 s5, $0x0  }
0x1f: {  	s9 =	smul.u32 $0xF7A, s1;
	s8 =	simm.s32 @!p0 $0x1BF5;
	p2 =	por !p2, p0  }
0x20: {  	[sflag:s8] =	ssyncset.s32 @!p0 $0xFFFFF086;
	s6 =	sadd.s32 @!p0 s3, s7;
	s7 =	simm.s32 @!p0 $0x108  }
0x21: {  	s3 =	sadd.s32 s3, s9;
	s6 =	sadd.s32 @!p0 $0x88, s6;
	s7 =	simm.s32 @p2 $0x1082  }
0x22: {  	[simem:s7], [sflag:s8] =	dma.local @!p0 [hbm:s6], $0xF7A  }
0x23: {  	s9 =	sor.u32 $0xD0000000, s2;
	s6 =	simm.s32 $0x108;
	_ =	swait.ge @!p0 [sflag:s8], $0x0  }
0x24: {  	s3 =	sadd.s32 $0x88, s3;
	s6 =	simm.s32 @!p1 $0x1082;
	[sflag:s4] =	ssyncset.s32 $0xFFFFF086  }
0x25: {  	[simem:s6], [sflag:s4] =	dma.local [hbm:s3], $0xF7A  }
0x26: {  	[smem:$0x3F9B] =	sst s1;
	(tag) =	ssettag s2;
	_ =	strace s9  }
0x27: {  	s1 =	sld [smem:$0x3FAB]  }
0x28: {  	s2 =	sld [smem:$0x3FAC]  }
0x29: {  	s4 =	sld [smem:$0x3FAE]  }
0x2a: {  	p0 =	seq.s32 s5, $0x0;
	s5 =	sld [smem:$0x3FAF]  }
0x2b: {  	s6 =	sld [smem:$0x3FB0]  }
0x2c: {  	s7 =	sld [smem:$0x3FB1]  }
0x2d: {  	s3 =	simm.s32 $0x108;
	s8 =	sld [smem:$0x3FB2]  }
0x2e: {  	s3 =	simm.s32 @!p0 $0x1082;
	s9 =	sld [smem:$0x3FB3]  }
0x2f: {  	lr =	sadd.s32 s0, s3;
	s0 =	sld [smem:$0x3FAA]  }
0x30: {  	s3 =	sld [smem:$0x3FAD]  }
0x31: {  	[smem:$0x3FB6] =	sst s10  }
0x32: {  	s10 =	sld [smem:$0x3FB4];
	_ =	sdelay $0x3  }
0x33: {  	p0 =	seq.s32 s10, $0x1;
	s10 =	sld [smem:$0x3FB6];
	_ =	sdelay $0x3  }
0x34: {  	[smem:$0x3FB6] =	sst s10  }
0x35: {  	s10 =	sld [smem:$0x3FB5];
	_ =	sdelay $0x3  }
0x36: {  	p1 =	seq.s32 s10, $0x1;
	s10 =	sld [smem:$0x3FB6];
	_ =	sdelay $0x3  }
0x37: {  	[smem:$0x3FB6] =	sst s10  }
0x38: {  	s10 =	sld [smem:$0x3FB7]  }
0x39: {  	_ = 	snop;
	(pc) =	sbr.ind lr, $3  }
0x3a: {  	_ = 	snop  }
0x3b: {  	_ = 	snop  }
0x3c: {  	p2 =	seq.s32 s10, $0x1;
	s10 =	sld [smem:$0x3FB6]  }
0x3d: {  	_ =	shalt  }
0x3e: {  	_ =	shalt  }
0x3f: {  	_ =	shalt  }
0x40: {  	_ =	shalt  }
0x41: {  	_ =	shalt  }
0x42: {  	_ =	shalt  }
0x43: {  	_ =	shalt  }
0x44: {  	_ =	shalt  }
0x45: {  	_ =	shalt  }
0x46: {  	_ =	shalt  }
0x47: {  	_ =	shalt  }
0x48: {  	_ =	shalt  }
0x49: {  	_ =	shalt  }
0x4a: {  	_ =	shalt  }
0x4b: {  	_ =	shalt  }
0x4c: {  	_ =	shalt  }
0x4d: {  	_ =	shalt  }
0x4e: {  	_ =	shalt  }
0x4f: {  	_ =	shalt  }
0x50: {  	_ =	shalt  }
0x51: {  	_ =	shalt  }
0x52: {  	_ =	shalt  }
0x53: {  	_ =	shalt  }
0x54: {  	_ =	shalt  }
0x55: {  	_ =	shalt  }
0x56: {  	_ =	shalt  }
0x57: {  	_ =	shalt  }
0x58: {  	_ =	shalt  }
0x59: {  	_ =	shalt  }
0x5a: {  	_ =	shalt  }
0x5b: {  	_ =	shalt  }
0x5c: {  	_ =	shalt  }
0x5d: {  	_ =	shalt  }
0x5e: {  	_ =	shalt  }
0x5f: {  	_ =	shalt  }
0x60: {  	_ =	shalt  }
0x61: {  	_ =	shalt  }
0x62: {  	_ =	shalt  }
0x63: {  	_ =	shalt  }
0x64: {  	_ =	shalt  }
0x65: {  	_ =	shalt  }
0x66: {  	_ =	shalt  }
0x67: {  	_ =	shalt  }
0x68: {  	_ =	shalt  }
0x69: {  	_ =	shalt  }
0x6a: {  	_ =	shalt  }
0x6b: {  	_ =	shalt  }
0x6c: {  	_ =	shalt  }
0x6d: {  	_ =	shalt  }
0x6e: {  	_ =	shalt  }
0x6f: {  	_ =	shalt  }
0x70: {  	_ =	shalt  }
0x71: {  	_ =	shalt  }
0x72: {  	_ =	shalt  }
0x73: {  	_ =	shalt  }
0x74: {  	_ =	shalt  }
0x75: {  	_ =	shalt  }
0x76: {  	_ =	shalt  }
0x77: {  	_ =	shalt  }
0x78: {  	_ =	shalt  }
0x79: {  	_ =	shalt  }
0x7a: {  	_ =	shalt  }
0x7b: {  	_ =	shalt  }
0x7c: {  	_ =	shalt  }
0x7d: {  	_ =	shalt  }
0x7e: {  	_ =	shalt  }
0x7f: {  	_ =	shalt  }
0x80: {  	_ =	shalt  }
0x81: {  	_ =	shalt  }
0x82: {  	_ =	shalt  }
0x83: {  	_ =	shalt  }
0x84: {  	_ =	shalt  }
0x85: {  	_ =	shalt  }
0x86: {  	_ =	shalt  }
0x87: {  	_ =	shalt  }
.Lfunc_end0:
.L_simem_size_0:
called_computation_lowered:
.L_overlay_start_0:
0x88: {  	s2 =	sld [smem:$0x3FD9]  }
0x89: {  	s3 =	sld [smem:$0x3FFE];
	_ =	sdelay $0x1  }
0x8a: {  	s1 =	srdreg.scid  }
0x8b: {  	s0 =	sand.u32 $0x1, s1  }
0x8c: {  	s16 =	sshll.u32 s0, $0xA;
	s2 =	sadd.s32 s3, s2  }
0x8d: {  	s2 =	sadd.s32 s2, s16  }
0x8e: {  	[smem:$0x3FC2] =	sst s2  }
0x8f: {  	_ = 	snop  }
0x90: {  	(tm) =	ssettm $0x1  }
0x91: {  	s17 =	sld [smem:$0x3FFB];
	_ =	sdelay $0x3  }
0x92: {  	_ =	strace s17  }
0x93: {  	s2 =	sld [smem:$0x3FFC];
	_ =	sdelay $0x3  }
0x94: {  	_ =	strace s2  }
0x95: {  	s2 =	sld [smem:$0x3FFD];
	_ =	sdelay $0x3  }
0x96: {  	_ =	strace s2  }
0x97: {  	_ =	strace $0x8FFFFFFF  }
0x98: {  	s18 =	sld [smem:$0x3FDB];
	_ =	sdelay $0x1  }
0x99: {  	s19 =	simm.s32 $_scs_section_size  }
0x9a: {  	s4 =	simm.s32 $_size__tile_overlayer_lowered;
	s5 =	simm.s32 $_tile_overlayer_lowered  }
0x9b: {  	s22 =	simm.s32 $0x1BFF;
	s21 =	sshll.u32 s5, $0x1;
	s2 =	sadd.s32 s19, s18  }
0x9c: {  	s6 =	simm.s32 $0x0;
	s20 =	sshll.u32 s4, $0x1;
	s4 =	sadd.s32 s21, s2  }
0x9d: {  	[timem:s6], [sflag:s22] =	dma.local [hbm:s4], s20  }
0x9e: {  	_ =	swait.ge [sflag:s22], s20  }
0x9f: {  	s3 =	ssub.s32 $0x0, s20;
	[sflag:s22] =	ssyncset.done $0x0  }
0xa0: {  	[sflag:s22] =	ssyncadd.s32 s3;
	_ =	sdelay $0x1  }
0xa1: {  	s23 =	simm.s32 $0x1B8B  }
0xa2: {  	_ =	swait.ge [sflag:s23], $0x1  }
0xa3: {  	[sflag:s23] =	ssyncset.done $0x0  }
0xa4: {  	s25 =	simm.s32 $0x1B8E;
	s24 =	sld [smem:$0x3FFE];
	[sflag:s23] =	ssyncadd.s32 $0xFFFFFFFF  }
0xa5: {  	s26 =	simm.s32 $execute0_lowered;
	[smem:$0x3FD2] =	sst s25  }
0xa6: {  	s4 =	sshll.u32 s26, $0x1;
	_ =	strace $0x80000046;
	[dreg:$0x1] =	wrdreg $0xFFFFFFFF  }
0xa7: {  	s28 =	simm.s32 $_size_execute0_lowered;
	s2 =	sadd.s32 s2, s4;
	[dreg:$0x0] =	wrdreg $0x0  }
0xa8: {  	s4 =	sshll.u32 s28, $0x1;
	[dreg:$0x2] =	wrdreg s2  }
0xa9: {  	[dreg:$0x3] =	wrdreg s4  }
0xaa: {  	[dreg:$0x4] =	wrdreg $0xC0  }
0xab: {  	_ =	task [dreg:s6], $0x5FFFF  }
0xac: {  	[dreg:$0x1] =	wrdreg $0xFFFFFFFF  }
0xad: {  	[dreg:$0x0] =	wrdreg $0x60  }
0xae: {  	[dreg:$0x2] =	wrdreg s24  }
0xaf: {  	[dreg:$0x3] =	wrdreg $0x68000  }
0xb0: {  	[dreg:$0x4] =	wrdreg $0x9  }
0xb1: {  	_ =	task.clear_ibuf [dreg:s6], $0x5FFFF;
	_ =	strace $0x90000046  }
0xb2: {  	s29 =	simm.s32 $0x9;
	_ =	strace $0x80000048  }
0xb3: {  	_ =	swait.ge [sflag:s29], $0x1  }
0xb4: {  	[sflag:s29] =	ssyncadd.s32 $0xFFFFFFFF  }
0xb5: {  	_ =	strace $0x90000048  }
0xb6: {  	_ =	sfence  }
0xb7: {  	s30 =	sld [smem:$0x0];
	_ =	sdelay $0x2  }
0xb8: {  	s31 =	sshll.u32 s1, $0xD;
	s1 =	sshrl.u32 s1, $0x2  }
0xb9: {  	s3 =	sand.u32 $0x4000, s31;
	s1 =	sadd.s32 s1, s30  }
0xba: {  	s0 =	sor.u32 s3, s0;
	s1 =	sshll.u32 s1, $0x11  }
0xbb: {  	s0 =	sor.u32 s1, s0  }
0xbc: {  	s0 =	sadd.s32 $0x8F2B, s0  }
0xbd: {  	[sflag:s0] =	ssyncadd.remote.s32 $0x1  }
0xbe: {  	_ =	sfence.sel $0xFFFF  }
0xbf: {  	[dreg:$0x0] =	wrdreg $0xFFFFFFFF;
	(pc) =	sbr.abs _section_cstart, $3  }
0xc0: {  	[dreg:$0x1] =	wrdreg $0xFFFFFFFF  }
0xc1: {  	_ =	task.clear_ibuf [dreg:s6], $0x2FFFF;
	_ =	strace $0x9FFFFFFF  }
0xc2: {  	(tm) =	ssettm $0x7FFFFFFF  }
0xc3: {  	_ =	shalt  }
tec
execute0_lowered:
.L_overlay_start_1:
0x0: {  	(tag) =	ssettag $0x1  }
0x1: {  	s1 =	srdreg.scid;
	s5 =	rddreg [dreg:$0x0]  }
0x2: {  	s0 =	stileid.u32;
	s2 =	rddreg [dreg:$0x1]  }
0x3: {  	s3 =	simm.s32 $0x0;
	s12 =	simm.s32 $0x2800;
	s13 =	simm.s32 $0x0  }
0x4: {  	s4 =	sand.u32 $0x1, s1;
	s28 =	sshll.u32 s0, $0x1;
	s7 =	smul.u32 $0x13C00, s0  }
0x5: {  	[smem:$0x7FF] =	sst s3;
	s29 =	smul.u32 $0x4F000, s0;
	s31 =	sshll.u32 s0, $0x6  }
0x6: {  	s1 =	sor.u32 s4, s28;
	s8 =	smul.u32 $0x13C000, s4;
	s4 =	ssub.s32 $0x2, s4  }
0x7: {  	s6 =	smul.u32 $0x500, s1;
	s1 =	rddreg [dreg:$0x2];
	_ =	strace $0x80000047  }
0x8: {  	s9 =	sshrl.u32 s7, $0x3;
	s10 =	sshrl.u32 s4, $0x1;
	s30 =	sshrl.u32 s29, $0x2  }
0x9: {  	s7 =	sadd.s32 s7, s8;
	s9 =	sadd.s32 s9, s5;
	s10 =	ssub.s32 s4, s10  }
0xa: {  	s11 =	sadd.s32 s30, s2;
	s6 =	sadd.s32 s6, s5;
	s7 =	sshrl.u32 s7, $0x3  }
0xb: {  	s8 =	simm.s32 $0x1;
	s7 =	sadd.s32 s7, s5;
	s4 =	sadd.s32 $0x1200, s6  }
0xc: {  	s5 =	sadd.s32 $0xB200, s9;
	s9 =	sor.u32 $0x1C01, s31;
	s6 =	sadd.s32 $0x32A00, s7  }
0xd: {  	v0 =	vimm.f32 $1.000000000e+00;
	s7 =	smax.u32 s10, $0x1;
	s10 =	sshrl.u32 s11, $0x3;
	s11 =	simm.s32 $0x80  }
.LBB2_1:
0xe: {  	[tilespmem:s3], [sflag:$0x1] =	stream.linear.gather [hbm4b:s4+s3], $0x2800, $0x38;
	[tilespmem:$0x8F80] =	vst v63  }
0xf: {  	_ =	swait.ge [sflag:s8], $0x2800  }
0x10: {  	[sflag:s8] =	ssyncset.done $0x0  }
0x11: {  	s14 =	simm.s32 $0x200;
	s15 =	simm.s32 $0x0;
	[sflag:s8] =	ssyncadd.s32 $0xFFFFD800  }
.LBB2_2:
0x12: {  	p0 =	sne.s32 s14, $0xFE00;
	[tilespmem:s15+$0x2800] =	vst v0;
	s15 =	smov.u32 s14;
	s14 =	sadd.s32 $0x200, s14  }
.Ltmp0:
0x13: {  	(pc) =	sbr.rel @p0 .LBB2_2-.Ltmp0, $2  }
0x14: {  	_ =	sdelay $0x2  }
0x15: {  	s15 =	sshra.s32 s15, $0x2  }
0x16: {  	[tilespmem:s15+$0x2800] =	vst v0  }
0x17: {  	[spmem:s10], [sflag:s9] =	dma.local [hbm:s5], $0x2780  }
0x18: {  	_ =	swait.ge [sflag:s8], $0x2780  }
0x19: {  	[sflag:s8] =	ssyncset.done $0x0  }
0x1a: {  	[sflag:s8] =	ssyncadd.s32 $0xFFFFD880  }
0x1b: {  	s14 =	simm.s32 $0x0;
	[bflag:$0x0] =	sbarrier.arrive $0xFFFF  }
0x1c: {  	[spmem:s2] =	stream.indirect.scatter.add.f32 [tilespmem:s12], [sflag:$0x1], $0x10, s14, s11, $0xb8;
	[tilespmem:$0x8F80] =	vst v63  }
0x1d: {  	_ =	swait.ge [sflag:s8], $0x800  }
0x1e: {  	s14 =	simm.s32 $0x200;
	[sflag:s8] =	ssyncset.done $0x0  }
.LBB2_4:
0x1f: {  	s15 =	sshra.s32 s14, $0x2;
	[sflag:s8] =	ssyncadd.s32 $0xFFFFF800;
	p0 =	sne.s32 s14, $0x9E00  }
0x20: {  	[spmem:s2] =	stream.indirect.scatter.add.f32 [tilespmem:s12], [sflag:$0x1], $0x10, s15, s11, $0xb8;
	[tilespmem:$0x8F80] =	vst v63  }
.Ltmp1:
0x21: {  	_ = 	snop;
	(pc) =	sbr.rel @p0 .LBB2_4-.Ltmp1, $4  }
0x22: {  	_ = 	snop  }
0x23: {  	s14 =	sadd.s32 $0x200, s14  }
0x24: {  	_ =	swait.ge [sflag:s8], $0x800  }
0x25: {  	[sflag:s8] =	ssyncset.done $0x0  }
0x26: {  	s13 =	sadd.s32 $0x1, s13  }
0x27: {  	[sflag:s8] =	ssyncadd.s32 $0xFFFFF800;
	p0 =	sne.s32 s13, s7  }
.Ltmp2:
0x28: {  	[bflag:$0x0] =	sbarrier.arrive $0xFFFF;
	(pc) =	sbr.rel @p0 .LBB2_1-.Ltmp2, $4  }
0x29: {  	[hbm:s6], [sflag:s9] =	dma.local [spmem:s10], $0x2780  }
0x2a: {  	_ =	swait.ge [sflag:s8], $0x2780  }
0x2b: {  	[sflag:s8] =	ssyncset.done $0x0  }
0x2c: {  	[sflag:s8] =	ssyncadd.s32 $0xFFFFD880  }
0x2d: {  	_ =	sfence.sel $0x180000  }
0x2e: {  	[bflag:$0x0] =	sbarrier.arrive $0xFFFF  }
0x2f: {  	p0 =	sne.s32 s0, $0x0;
	_ =	strace $0x90000047  }
0x30: {  	s0 =	sadd.s32 @!p0 $0x100000, s1;
	[bflag:$0x2] =	sbarrier.arrive $0xFFFF  }
0x31: {  	[sflag:s0] =	ssyncadd.tile.s32 @!p0 $0x1;
	_ =	shalt  }
.Lfunc_end2:
_tile_overlayer_lowered:
.L_overlay_start_2:
0x32: {  	(tag) =	ssettag $0x2  }
0x33: {  	s0 =	rddreg [dreg:$0x0];
	s2 =	stileid.u32  }
0x34: {  	s1 =	rddreg [dreg:$0x1];
	p0 =	sne.s32 s2, $0x0  }
0x35: {  	s3 =	rddreg [dreg:$0x2];
	[bflag:$0x3] =	sbarrier.arrive $0xFFFF;
	s2 =	simm.s32 @!p0 $0x1C01  }
0x36: {  	[timem:s3], [sflag:s2] =	dma.local @!p0 [hbm:s0], s1  }
0x37: {  	s0 =	simm.s32 @!p0 $0x1  }
0x38: {  	_ =	swait.ge @!p0 [sflag:s0], s1  }
0x39: {  	s1 =	ssub.s32 @!p0 $0x0, s1;
	[sflag:s0] =	ssyncset.done @!p0 $0x0  }
0x3a: {  	[sflag:s0] =	ssyncadd.s32 @!p0 s1  }
0x3b: {  	[bflag:$0x3] =	sbarrier.arrive $0xFFFF  }
0x3c: {  	_ =	shalt  }

</sc_bundles>
